<compile_context>
chip_gen: v7x
topology: tpu7x:2x2x1
jax: 0.10.2.dev20260603
libtpu: 0.0.44.dev20260713+nightly
codegen_flags: <defaults>
</compile_context>

<pallas_src>
import functools

import jax
import jax.numpy as jnp
from jax import lax
from jax.experimental import pallas as pl
from jax.experimental.pallas import tpu as pltpu
from jax.experimental.pallas import tpu_sc as plsc

_N = 10000
_E = 320000
_D = 128
_DH = _D // 2
_NP = 10240
_NC = 2
_NS = 16
_NW = _NC * _NS
_B = 125
_NB = _E // _NW // _B
_NB2 = _E // _NS // _B
_TS = _NP // _NS

_mesh = plsc.VectorSubcoreMesh(core_axis_name="c", subcore_axis_name="s")


def _fill_1d(ref, n, value):
    def body(i, carry):
        ref[pl.ds(i * 16, 16)] = jnp.full((16,), value, jnp.float32)
        return carry
    lax.fori_loop(0, n // 16, body, 0)


@functools.partial(
    pl.kernel,
    out_type=jax.ShapeDtypeStruct((_NC, 2, _NP), jnp.float32),
    mesh=_mesh,
    compiler_params=pltpu.CompilerParams(use_tc_tiling_on_sc=False),
    scratch_types=[
        pltpu.VMEM((_NB, _B), jnp.int32),
        pltpu.VMEM((_NB, _B), jnp.int32),
        pltpu.VMEM((128,), jnp.float32),
        pltpu.VMEM((_TS,), jnp.float32),
        pltpu.VMEM_SHARED((_NP,), jnp.float32),
        pltpu.VMEM_SHARED((_NP,), jnp.float32),
        pltpu.SemaphoreType.DMA,
    ],
)
def _deg_kernel(src_hbm, dst_hbm, deg_hbm, src_v, dst_v, ones_v, zero_v,
                dego_sh, degi_sh, sem):
    c = lax.axis_index("c")
    s = lax.axis_index("s")
    w = c * _NS + s
    pltpu.sync_copy(src_hbm.at[w], src_v)
    pltpu.sync_copy(dst_hbm.at[w], dst_v)
    _fill_1d(ones_v, 128, 1.0)
    _fill_1d(zero_v, _TS, 0.0)
    pltpu.sync_copy(zero_v, dego_sh.at[pl.ds(s * _TS, _TS)])
    pltpu.sync_copy(zero_v, degi_sh.at[pl.ds(s * _TS, _TS)])
    plsc.subcore_barrier()

    def body(q, carry):
        for u in range(4):
            j = q * 4 + u
            pltpu.async_copy(ones_v.at[pl.ds(0, _B)], dego_sh.at[src_v.at[j]],
                             sem, add=True)
            pltpu.async_copy(ones_v.at[pl.ds(0, _B)], degi_sh.at[dst_v.at[j]],
                             sem, add=True)
        for u in range(8):
            pltpu.make_async_copy(ones_v.at[pl.ds(0, _B)],
                                  dego_sh.at[src_v.at[0]], sem).wait()
        return carry
    lax.fori_loop(0, _NB // 4, body, 0)
    plsc.subcore_barrier()
    sl = pl.ds(s * _TS, _TS)
    pltpu.sync_copy(dego_sh.at[sl], deg_hbm.at[c, 0, sl])
    pltpu.sync_copy(degi_sh.at[sl], deg_hbm.at[c, 1, sl])


def _prep_body(x_ref, deg_ref, xs_ref, norm_ref, nd1_ref):
    deg = deg_ref[0] + deg_ref[1]
    norm = lax.rsqrt(jnp.maximum(deg, 1.0))
    norm_ref[...] = norm
    nd1_ref[...] = norm[1]
    ns_col = jnp.reshape(norm[0, :_N], (_N, 1))
    x = x_ref[...]
    mask = (jnp.sum(x, axis=1, keepdims=True) != 0.0).astype(jnp.float32)
    xs_ref[...] = x * (mask * ns_col)


_RING = 4


@functools.partial(
    pl.kernel,
    out_type=(
        jax.ShapeDtypeStruct((_NP, _D), jnp.float32),
        jax.ShapeDtypeStruct((_NC, _NP), jnp.float32),
    ),
    mesh=_mesh,
    compiler_params=pltpu.CompilerParams(use_tc_tiling_on_sc=False),
    scratch_types=[
        pltpu.VMEM((_NB2, _B), jnp.int32),
        pltpu.VMEM((_NB, _B), jnp.int32),
        pltpu.VMEM((_NB2, _B), jnp.int32),
        pltpu.VMEM((_B, _DH), jnp.float32),
        pltpu.VMEM((_B, _DH), jnp.float32),
        pltpu.VMEM((_B, _DH), jnp.float32),
        pltpu.VMEM((_B, _DH), jnp.float32),
        pltpu.VMEM((_B,), jnp.float32),
        pltpu.VMEM((_B,), jnp.float32),
        pltpu.VMEM((64, _DH), jnp.float32),
        pltpu.VMEM((_TS,), jnp.float32),
        pltpu.VMEM_SHARED((_NP, _DH), jnp.float32),
        pltpu.VMEM_SHARED((_NP,), jnp.float32),
        pltpu.SemaphoreType.DMA,
        pltpu.SemaphoreType.DMA,
        pltpu.SemaphoreType.DMA,
        pltpu.SemaphoreType.DMA,
        pltpu.SemaphoreType.DMA,
        pltpu.SemaphoreType.DMA,
    ],
)
def _edge_kernel(xsr_hbm, nd_hbm, srcx_hbm, srcp_hbm, dst_hbm, agg_hbm, t_hbm,
                 srcx_v, srcp_v, dst_v, rows0, rows1, rows2, rows3,
                 nv0, nv1, zero_v, zt_v, agg_sh, t_sh,
                 semr0, semr1, semr2, semr3, semn0, semn1):
    c = lax.axis_index("c")
    s = lax.axis_index("s")
    rows = (rows0, rows1, rows2, rows3)
    semr = (semr0, semr1, semr2, semr3)
    nvals = (nv0, nv1)
    semn = (semn0, semn1)
    pltpu.sync_copy(srcx_hbm.at[c, s], srcx_v)
    pltpu.sync_copy(srcp_hbm.at[s, pl.ds(c * _NB, _NB)], srcp_v)
    pltpu.sync_copy(dst_hbm.at[s], dst_v)

    for u in range(_RING):
        pltpu.async_copy(xsr_hbm.at[srcx_v.at[u]], rows[u], semr[u])
    for v in range(2):
        pltpu.async_copy(nd_hbm.at[dst_v.at[c * _NB + v]], nvals[v], semn[v])

    def zf(i, carry):
        for k in range(_DH // 16):
            zero_v[i, pl.ds(k * 16, 16)] = jnp.zeros((16,), jnp.float32)
        return carry
    lax.fori_loop(0, 64, zf, 0)
    _fill_1d(zt_v, _TS, 0.0)
    for q in range(_TS // 64):
        pltpu.sync_copy(zero_v, agg_sh.at[pl.ds(s * _TS + q * 64, 64), :])
    pltpu.sync_copy(zt_v, t_sh.at[pl.ds(s * _TS, _TS)])
    plsc.subcore_barrier()

    def body(q, carry):
        for u in range(_RING):
            j = q * _RING + u
            jp = jnp.minimum(j + _RING, _NB2 - 1)
            pltpu.make_async_copy(xsr_hbm.at[srcx_v.at[j]], rows[u],
                                  semr[u]).wait()
            pltpu.sync_copy(rows[u], agg_sh.at[dst_v.at[j]], add=True)
            pltpu.async_copy(xsr_hbm.at[srcx_v.at[jp]], rows[u], semr[u])
            if u % 2 == 1:
                v = u // 2
                jj = q * 2 + v
                jjp = jnp.minimum(c * _NB + jj + 2, _NB2 - 1)
                pltpu.make_async_copy(nd_hbm.at[dst_v.at[c * _NB + jj]],
                                      nvals[v], semn[v]).wait()
                pltpu.sync_copy(nvals[v], t_sh.at[srcp_v.at[jj]], add=True)
                pltpu.async_copy(nd_hbm.at[dst_v.at[jjp]], nvals[v], semn[v])
        return carry
    lax.fori_loop(0, _NB2 // _RING, body, 0)

    for u in range(_RING):
        pltpu.make_async_copy(xsr_hbm.at[srcx_v.at[0]], rows[u],
                              semr[u]).wait()
    for v in range(2):
        pltpu.make_async_copy(nd_hbm.at[dst_v.at[0]], nvals[v],
                              semn[v]).wait()
    plsc.subcore_barrier()
    sl = pl.ds(s * _TS, _TS)
    pltpu.sync_copy(agg_sh.at[sl, :], agg_hbm.at[sl, pl.ds(c * _DH, _DH)])
    pltpu.sync_copy(t_sh.at[sl], t_hbm.at[c, sl])


_RB = 1280


def _final_body(agg_ref, t_ref, norm_ref, w0_ref, b0_ref, w1_ref,
                b1_ref, out_ref, acc_ref):
    i = pl.program_id(0)

    @pl.when(i == 0)
    def _init():
        acc_ref[...] = jnp.zeros_like(acc_ref)

    a = agg_ref[...]
    nd_col = jnp.reshape(norm_ref[1], (_RB, 1))
    z = jnp.dot(a * nd_col, w0_ref[...], preferred_element_type=jnp.float32)
    h = jnp.maximum(z + b0_ref[...], 0.0)
    cvec = norm_ref[0] * (t_ref[0] + t_ref[1])
    acc_ref[...] += jnp.sum(h * jnp.reshape(cvec, (_RB, 1)), axis=0,
                            keepdims=True)

    @pl.when(i == pl.num_programs(0) - 1)
    def _fin():
        v = acc_ref[...] * (1.0 / _N)
        out_ref[...] = (
            jnp.dot(v, w1_ref[...], preferred_element_type=jnp.float32)
            + b1_ref[...]
        )


def kernel(x, edge_index, W0, b0, W1, b1):
    src = edge_index[0]
    dst = edge_index[1]
    src3 = src.reshape(_NW, _NB, _B)
    dst3 = dst.reshape(_NW, _NB, _B)

    deg = _deg_kernel(src3, dst3)

    xs, norm, nd1 = pl.pallas_call(
        _prep_body,
        out_shape=(
            jax.ShapeDtypeStruct((_N, _D), jnp.float32),
            jax.ShapeDtypeStruct((2, _NP), jnp.float32),
            jax.ShapeDtypeStruct((_NP,), jnp.float32),
        ),
    )(x, deg)

    srcx = (src[None, :] * 2
            + jnp.arange(_NC, dtype=src.dtype)[:, None]).reshape(
                _NC, _NS, _NB2, _B)
    srcp = src.reshape(_NS, _NB2, _B)
    dst2 = dst.reshape(_NS, _NB2, _B)
    agg, t = _edge_kernel(xs.reshape(2 * _N, _DH), nd1, srcx, srcp, dst2)

    out = pl.pallas_call(
        _final_body,
        grid=(_NP // _RB,),
        in_specs=[
            pl.BlockSpec((_RB, _D), lambda i: (i, 0)),
            pl.BlockSpec((_NC, _RB), lambda i: (0, i)),
            pl.BlockSpec((2, _RB), lambda i: (0, i)),
            pl.BlockSpec((_D, _D), lambda i: (0, 0)),
            pl.BlockSpec((1, _D), lambda i: (0, 0)),
            pl.BlockSpec((_D, _D), lambda i: (0, 0)),
            pl.BlockSpec((1, _D), lambda i: (0, 0)),
        ],
        out_specs=pl.BlockSpec((1, _D), lambda i: (0, 0)),
        out_shape=jax.ShapeDtypeStruct((1, _D), jnp.float32),
        scratch_shapes=[pltpu.VMEM((1, _D), jnp.float32)],
    )(agg, t, norm, W0, b0.reshape(1, _D), W1, b1.reshape(1, _D))
    return out

# --- scband reference (transcript-rebuilt; emitter-appended) ---
"""Pipeline reference for scband-custom-gnn-19335942767132 (READ-ONLY COPY).

The authoritative reference and input builder live on the scoring server;
editing this copy changes nothing except your own understanding.
"""

import jax, jax.numpy as jnp
import numpy as np

N = 10000
E = 320000
D_IN = 128
D_HID = 128


def setup_inputs(seed: int = 0) -> dict:
    key = jax.random.key(seed)
    k1, k2, k3, k4 = jax.random.split(key, 4)
    x = jax.random.normal(k1, (N, D_IN), dtype=jnp.float32)
    edge_index = jax.random.randint(k2, (2, E), 0, N, dtype=jnp.int32)
    # GCN layer parameters (Glorot-ish init), num_layers=2
    W0 = jax.random.normal(k3, (D_IN, D_HID), dtype=jnp.float32) * (1.0 / np.sqrt(D_IN))
    b0 = jnp.zeros((D_HID,), dtype=jnp.float32)
    W1 = jax.random.normal(k4, (D_HID, D_HID), dtype=jnp.float32) * (1.0 / np.sqrt(D_HID))
    b1 = jnp.zeros((D_HID,), dtype=jnp.float32)
    return {"x": x, "edge_index": edge_index, "W0": W0, "b0": b0, "W1": W1, "b1": b1}


def _gcn_layer(x, edge_index, W, b):
    # DGL GraphConv with norm='both': h = D_dst^{-1/2} A D_src^{-1/2} x W + b
    src = edge_index[0]
    dst = edge_index[1]
    ones = jnp.ones((src.shape[0],), dtype=jnp.float32)
    deg_out = jax.ops.segment_sum(ones, src, num_segments=N)
    deg_in = jax.ops.segment_sum(ones, dst, num_segments=N)
    norm_src = jax.lax.rsqrt(jnp.clip(deg_out, 1.0, None))
    norm_dst = jax.lax.rsqrt(jnp.clip(deg_in, 1.0, None))
    h = x * norm_src[:, None]
    agg = jax.ops.segment_sum(jnp.take(h, src, axis=0), dst, num_segments=N)
    agg = agg * norm_dst[:, None]
    return agg @ W + b


def reference(x, edge_index, W0, b0, W1, b1):
    # mask rows whose feature sum is exactly zero (padding nodes)
    mask = (jnp.sum(x, axis=1) != 0).astype(jnp.float32)
    x = x * mask[:, None]
    # UnsupervisedGCN: 2 GraphConv layers, ReLU between, dropout=0.0 (eval)
    h = jax.nn.relu(_gcn_layer(x, edge_index, W0, b0))
    h = _gcn_layer(h, edge_index, W1, b1)
    # readout=True: dgl.mean_nodes over a single graph -> [1, hidden]
    readout = jnp.mean(h, axis=0, keepdims=True)
    return readout

if __name__ == "__main__":
    import jax
    _d = setup_inputs()
    print(jax.jit(kernel)(*tuple(_d.values())))

</pallas_src>

<mosaic_0001>
#map = affine_map<(d0, d1) -> (0, 0, 0)>
module attributes {stable_mosaic.version = 14 : i64} {
  func.func @_deg_kernel(%arg0: i32, %arg1: i32, %arg2: memref<32x80x125xi32, #tpu.memory_space<hbm>>, %arg3: memref<32x80x125xi32, #tpu.memory_space<hbm>>, %arg4: memref<2x2x10240xf32, #tpu.memory_space<hbm>>, %arg5: memref<80x125xi32, #tpu.memory_space<vmem>>, %arg6: memref<80x125xi32, #tpu.memory_space<vmem>>, %arg7: memref<128xf32, #tpu.memory_space<vmem>>, %arg8: memref<640xf32, #tpu.memory_space<vmem>>, %arg9: memref<10240xf32, #tpu.memory_space<vmem_shared>>, %arg10: memref<10240xf32, #tpu.memory_space<vmem_shared>>, %arg11: memref<!tpu.dma_semaphore, #tpu.memory_space<semaphore_mem>>) attributes {dimension_semantics = [#tpu.dimension_semantics<core_parallel>, #tpu.dimension_semantics<subcore_parallel>], iteration_bounds = array<i64: 2, 16>, scalar_prefetch = 0 : i64, scratch_operands = 7 : i64, tpu.core_type = #tpu.core_type<sc_vector_subcore>, window_params = [{transform_indices = #map}, {transform_indices = #map}, {transform_indices = #map}]} {
    %mul3A = arith.constant 16 : i32
    %mul3A_0 = arith.muli %arg0, %mul3A : i32
    %add3A = arith.addi %mul3A_0, %arg1 : i32
    "tpu.region"() ({
      %run_scoped3A_26 = tpu.sem_alloc : memref<!tpu.dma_semaphore, #tpu.memory_space<semaphore_mem>>
      %dma_start3A = arith.constant 0 : i32
      %dma_start3A_27 = arith.constant 0 : i32
      %dma_start3A_28 = tpu.memref_slice %arg2[%add3A, %dma_start3A, %dma_start3A_27] : memref<32x80x125xi32, #tpu.memory_space<hbm>> -> memref<1x80x125xi32, #tpu.memory_space<hbm>>
      %dma_start3A_29 = tpu.memref_squeeze %dma_start3A_28 : memref<1x80x125xi32, #tpu.memory_space<hbm>> -> memref<80x125xi32, #tpu.memory_space<hbm>>
      %dma_start3A_30 = arith.constant 0 : i32
      %dma_start3A_31 = arith.constant 0 : i32
      %dma_start3A_32 = tpu.memref_slice %arg2[%add3A, %dma_start3A_30, %dma_start3A_31] : memref<32x80x125xi32, #tpu.memory_space<hbm>> -> memref<1x80x125xi32, #tpu.memory_space<hbm>>
      %dma_start3A_33 = tpu.memref_squeeze %dma_start3A_32 : memref<1x80x125xi32, #tpu.memory_space<hbm>> -> memref<80x125xi32, #tpu.memory_space<hbm>>
      tpu.enqueue_dma source(%dma_start3A_33 : memref<80x125xi32, #tpu.memory_space<hbm>>) target(%arg5 : memref<80x125xi32, #tpu.memory_space<vmem>>) target_semaphore(%run_scoped3A_26 : memref<!tpu.dma_semaphore, #tpu.memory_space<semaphore_mem>>)
      %dma_wait3A = arith.constant 0 : i32
      %dma_wait3A_34 = arith.constant 0 : i32
      %dma_wait3A_35 = tpu.memref_slice %arg2[%add3A, %dma_wait3A, %dma_wait3A_34] : memref<32x80x125xi32, #tpu.memory_space<hbm>> -> memref<1x80x125xi32, #tpu.memory_space<hbm>>
      %dma_wait3A_36 = tpu.memref_squeeze %dma_wait3A_35 : memref<1x80x125xi32, #tpu.memory_space<hbm>> -> memref<80x125xi32, #tpu.memory_space<hbm>>
      %dma_wait3A_37 = arith.constant 0 : i32
      %dma_wait3A_38 = arith.constant 0 : i32
      %dma_wait3A_39 = tpu.memref_slice %arg2[%add3A, %dma_wait3A_37, %dma_wait3A_38] : memref<32x80x125xi32, #tpu.memory_space<hbm>> -> memref<1x80x125xi32, #tpu.memory_space<hbm>>
      %dma_wait3A_40 = tpu.memref_squeeze %dma_wait3A_39 : memref<1x80x125xi32, #tpu.memory_space<hbm>> -> memref<80x125xi32, #tpu.memory_space<hbm>>
      tpu.wait_dma2 semaphore(%run_scoped3A_26 : memref<!tpu.dma_semaphore, #tpu.memory_space<semaphore_mem>>) src(%dma_wait3A_40 : memref<80x125xi32, #tpu.memory_space<hbm>>) dst(%arg5 : memref<80x125xi32, #tpu.memory_space<vmem>>)
      tpu.yield
    }) : () -> ()
    "tpu.region"() ({
      %run_scoped3A_26 = tpu.sem_alloc : memref<!tpu.dma_semaphore, #tpu.memory_space<semaphore_mem>>
      %dma_start3A = arith.constant 0 : i32
      %dma_start3A_27 = arith.constant 0 : i32
      %dma_start3A_28 = tpu.memref_slice %arg3[%add3A, %dma_start3A, %dma_start3A_27] : memref<32x80x125xi32, #tpu.memory_space<hbm>> -> memref<1x80x125xi32, #tpu.memory_space<hbm>>
      %dma_start3A_29 = tpu.memref_squeeze %dma_start3A_28 : memref<1x80x125xi32, #tpu.memory_space<hbm>> -> memref<80x125xi32, #tpu.memory_space<hbm>>
      %dma_start3A_30 = arith.constant 0 : i32
      %dma_start3A_31 = arith.constant 0 : i32
      %dma_start3A_32 = tpu.memref_slice %arg3[%add3A, %dma_start3A_30, %dma_start3A_31] : memref<32x80x125xi32, #tpu.memory_space<hbm>> -> memref<1x80x125xi32, #tpu.memory_space<hbm>>
      %dma_start3A_33 = tpu.memref_squeeze %dma_start3A_32 : memref<1x80x125xi32, #tpu.memory_space<hbm>> -> memref<80x125xi32, #tpu.memory_space<hbm>>
      tpu.enqueue_dma source(%dma_start3A_33 : memref<80x125xi32, #tpu.memory_space<hbm>>) target(%arg6 : memref<80x125xi32, #tpu.memory_space<vmem>>) target_semaphore(%run_scoped3A_26 : memref<!tpu.dma_semaphore, #tpu.memory_space<semaphore_mem>>)
      %dma_wait3A = arith.constant 0 : i32
      %dma_wait3A_34 = arith.constant 0 : i32
      %dma_wait3A_35 = tpu.memref_slice %arg3[%add3A, %dma_wait3A, %dma_wait3A_34] : memref<32x80x125xi32, #tpu.memory_space<hbm>> -> memref<1x80x125xi32, #tpu.memory_space<hbm>>
      %dma_wait3A_36 = tpu.memref_squeeze %dma_wait3A_35 : memref<1x80x125xi32, #tpu.memory_space<hbm>> -> memref<80x125xi32, #tpu.memory_space<hbm>>
      %dma_wait3A_37 = arith.constant 0 : i32
      %dma_wait3A_38 = arith.constant 0 : i32
      %dma_wait3A_39 = tpu.memref_slice %arg3[%add3A, %dma_wait3A_37, %dma_wait3A_38] : memref<32x80x125xi32, #tpu.memory_space<hbm>> -> memref<1x80x125xi32, #tpu.memory_space<hbm>>
      %dma_wait3A_40 = tpu.memref_squeeze %dma_wait3A_39 : memref<1x80x125xi32, #tpu.memory_space<hbm>> -> memref<80x125xi32, #tpu.memory_space<hbm>>
      tpu.wait_dma2 semaphore(%run_scoped3A_26 : memref<!tpu.dma_semaphore, #tpu.memory_space<semaphore_mem>>) src(%dma_wait3A_40 : memref<80x125xi32, #tpu.memory_space<hbm>>) dst(%arg6 : memref<80x125xi32, #tpu.memory_space<vmem>>)
      tpu.yield
    }) : () -> ()
    %scan3A = arith.constant 0 : i32
    %scan3A_1 = arith.constant 0 : i32
    %scan3A_2 = arith.constant 8 : i32
    %scan3A_3 = arith.addi %scan3A_1, %scan3A_2 : i32
    %scan3A_4 = arith.constant 1 : i32
    scf.for %scan3A_26 = %scan3A_1 to %scan3A_3 step %scan3A_4  : i32 {
      %broadcast_in_dim3A = arith.constant 1.000000e+00 : f32
      %broadcast_in_dim3A_27 = vector.broadcast %broadcast_in_dim3A : f32 to vector<16xf32>
      %mul3A_28 = arith.constant 16 : i32
      %mul3A_29 = arith.muli %scan3A_26, %mul3A_28 : i32
      %swap3A = arith.index_cast %mul3A_29 : i32 to index
      %swap3A_30 = tpu.vector_load %arg7[%swap3A] {strides = array<i32>} : memref<128xf32, #tpu.memory_space<vmem>>, vector<16xf32>,
      %swap3A_31 = vector.shape_cast %swap3A_30 : vector<16xf32> to vector<16xf32>
      %swap3A_32 = vector.shape_cast %broadcast_in_dim3A_27 : vector<16xf32> to vector<16xf32>
      tpu.vector_store %arg7[%swap3A], %swap3A_32 {strides = array<i32>} : memref<128xf32, #tpu.memory_space<vmem>>, vector<16xf32>,
    }
    %scan3A_5 = arith.constant 8 : i32
    %scan3A_6 = arith.constant 0 : i32
    %scan3A_7 = arith.constant 0 : i32
    %scan3A_8 = arith.constant 40 : i32
    %scan3A_9 = arith.addi %scan3A_7, %scan3A_8 : i32
    %scan3A_10 = arith.constant 1 : i32
    scf.for %scan3A_26 = %scan3A_7 to %scan3A_9 step %scan3A_10  : i32 {
      %broadcast_in_dim3A = arith.constant 0.000000e+00 : f32
      %broadcast_in_dim3A_27 = vector.broadcast %broadcast_in_dim3A : f32 to vector<16xf32>
      %mul3A_28 = arith.constant 16 : i32
      %mul3A_29 = arith.muli %scan3A_26, %mul3A_28 : i32
      %swap3A = arith.index_cast %mul3A_29 : i32 to index
      %swap3A_30 = tpu.vector_load %arg8[%swap3A] {strides = array<i32>} : memref<640xf32, #tpu.memory_space<vmem>>, vector<16xf32>,
      %swap3A_31 = vector.shape_cast %swap3A_30 : vector<16xf32> to vector<16xf32>
      %swap3A_32 = vector.shape_cast %broadcast_in_dim3A_27 : vector<16xf32> to vector<16xf32>
      tpu.vector_store %arg8[%swap3A], %swap3A_32 {strides = array<i32>} : memref<640xf32, #tpu.memory_space<vmem>>, vector<16xf32>,
    }
    %scan3A_11 = arith.constant 40 : i32
    %mul3A_12 = arith.constant 640 : i32
    %mul3A_13 = arith.muli %arg1, %mul3A_12 : i32
    "tpu.region"() ({
      %run_scoped3A_26 = tpu.sem_alloc : memref<!tpu.dma_semaphore, #tpu.memory_space<semaphore_mem>>
      %dma_start3A = tpu.memref_slice %arg9[%mul3A_13] : memref<10240xf32, #tpu.memory_space<vmem_shared>> -> memref<640xf32, #tpu.memory_space<vmem_shared>>
      %dma_start3A_27 = tpu.memref_slice %arg9[%mul3A_13] : memref<10240xf32, #tpu.memory_space<vmem_shared>> -> memref<640xf32, #tpu.memory_space<vmem_shared>>
      tpu.enqueue_dma source(%arg8 : memref<640xf32, #tpu.memory_space<vmem>>) target(%dma_start3A_27 : memref<640xf32, #tpu.memory_space<vmem_shared>>) target_semaphore(%run_scoped3A_26 : memref<!tpu.dma_semaphore, #tpu.memory_space<semaphore_mem>>)
      %dma_wait3A = tpu.memref_slice %arg9[%mul3A_13] : memref<10240xf32, #tpu.memory_space<vmem_shared>> -> memref<640xf32, #tpu.memory_space<vmem_shared>>
      %dma_wait3A_28 = tpu.memref_slice %arg9[%mul3A_13] : memref<10240xf32, #tpu.memory_space<vmem_shared>> -> memref<640xf32, #tpu.memory_space<vmem_shared>>
      tpu.wait_dma2 semaphore(%run_scoped3A_26 : memref<!tpu.dma_semaphore, #tpu.memory_space<semaphore_mem>>) src(%arg8 : memref<640xf32, #tpu.memory_space<vmem>>) dst(%dma_wait3A_28 : memref<640xf32, #tpu.memory_space<vmem_shared>>)
      tpu.yield
    }) : () -> ()
    %mul3A_14 = arith.constant 640 : i32
    %mul3A_15 = arith.muli %arg1, %mul3A_14 : i32
    "tpu.region"() ({
      %run_scoped3A_26 = tpu.sem_alloc : memref<!tpu.dma_semaphore, #tpu.memory_space<semaphore_mem>>
      %dma_start3A = tpu.memref_slice %arg10[%mul3A_15] : memref<10240xf32, #tpu.memory_space<vmem_shared>> -> memref<640xf32, #tpu.memory_space<vmem_shared>>
      %dma_start3A_27 = tpu.memref_slice %arg10[%mul3A_15] : memref<10240xf32, #tpu.memory_space<vmem_shared>> -> memref<640xf32, #tpu.memory_space<vmem_shared>>
      tpu.enqueue_dma source(%arg8 : memref<640xf32, #tpu.memory_space<vmem>>) target(%dma_start3A_27 : memref<640xf32, #tpu.memory_space<vmem_shared>>) target_semaphore(%run_scoped3A_26 : memref<!tpu.dma_semaphore, #tpu.memory_space<semaphore_mem>>)
      %dma_wait3A = tpu.memref_slice %arg10[%mul3A_15] : memref<10240xf32, #tpu.memory_space<vmem_shared>> -> memref<640xf32, #tpu.memory_space<vmem_shared>>
      %dma_wait3A_28 = tpu.memref_slice %arg10[%mul3A_15] : memref<10240xf32, #tpu.memory_space<vmem_shared>> -> memref<640xf32, #tpu.memory_space<vmem_shared>>
      tpu.wait_dma2 semaphore(%run_scoped3A_26 : memref<!tpu.dma_semaphore, #tpu.memory_space<semaphore_mem>>) src(%arg8 : memref<640xf32, #tpu.memory_space<vmem>>) dst(%dma_wait3A_28 : memref<640xf32, #tpu.memory_space<vmem_shared>>)
      tpu.yield
    }) : () -> ()
    %barrier3A = arith.constant 0 : index
    tpu.barrier barrier_id(%barrier3A)
    %scan3A_16 = arith.constant 0 : i32
    %scan3A_17 = arith.constant 0 : i32
    %scan3A_18 = arith.constant 20 : i32
    %scan3A_19 = arith.addi %scan3A_17, %scan3A_18 : i32
    %scan3A_20 = arith.constant 1 : i32
    scf.for %scan3A_26 = %scan3A_17 to %scan3A_19 step %scan3A_20  : i32 {
      %mul3A_27 = arith.constant 4 : i32
      %mul3A_28 = arith.muli %scan3A_26, %mul3A_27 : i32
      %add3A_29 = arith.constant 0 : i32
      %add3A_30 = arith.addi %mul3A_28, %add3A_29 : i32
      %dma_start3A = arith.constant 0 : i32
      %dma_start3A_31 = tpu.memref_slice %arg7[%dma_start3A] : memref<128xf32, #tpu.memory_space<vmem>> -> memref<125xf32, #tpu.memory_space<vmem>>
      %dma_start3A_32 = arith.constant 0 : i32
      %dma_start3A_33 = tpu.memref_slice %arg5[%add3A_30, %dma_start3A_32] : memref<80x125xi32, #tpu.memory_space<vmem>> -> memref<1x125xi32, #tpu.memory_space<vmem>>
      %dma_start3A_34 = tpu.memref_squeeze %dma_start3A_33 : memref<1x125xi32, #tpu.memory_space<vmem>> -> memref<125xi32, #tpu.memory_space<vmem>>
      %dma_start3A_35 = arith.constant 0 : i32
      %dma_start3A_36 = tpu.memref_slice %arg9[%dma_start3A_35] : memref<10240xf32, #tpu.memory_space<vmem_shared>> -> memref<10240xf32, #tpu.memory_space<vmem_shared>>
      tpu.enqueue_indirect_dma source(%dma_start3A_31 : memref<125xf32, #tpu.memory_space<vmem>>) target(%dma_start3A_36 : memref<10240xf32, #tpu.memory_space<vmem_shared>>) offsets(%dma_start3A_34 : memref<125xi32, #tpu.memory_space<vmem>>) semaphore(%arg11 : memref<!tpu.dma_semaphore, #tpu.memory_space<semaphore_mem>>) {add = true}
      %dma_start3A_37 = arith.constant 0 : i32
      %dma_start3A_38 = tpu.memref_slice %arg7[%dma_start3A_37] : memref<128xf32, #tpu.memory_space<vmem>> -> memref<125xf32, #tpu.memory_space<vmem>>
      %dma_start3A_39 = arith.constant 0 : i32
      %dma_start3A_40 = tpu.memref_slice %arg6[%add3A_30, %dma_start3A_39] : memref<80x125xi32, #tpu.memory_space<vmem>> -> memref<1x125xi32, #tpu.memory_space<vmem>>
      %dma_start3A_41 = tpu.memref_squeeze %dma_start3A_40 : memref<1x125xi32, #tpu.memory_space<vmem>> -> memref<125xi32, #tpu.memory_space<vmem>>
      %dma_start3A_42 = arith.constant 0 : i32
      %dma_start3A_43 = tpu.memref_slice %arg10[%dma_start3A_42] : memref<10240xf32, #tpu.memory_space<vmem_shared>> -> memref<10240xf32, #tpu.memory_space<vmem_shared>>
      tpu.enqueue_indirect_dma source(%dma_start3A_38 : memref<125xf32, #tpu.memory_space<vmem>>) target(%dma_start3A_43 : memref<10240xf32, #tpu.memory_space<vmem_shared>>) offsets(%dma_start3A_41 : memref<125xi32, #tpu.memory_space<vmem>>) semaphore(%arg11 : memref<!tpu.dma_semaphore, #tpu.memory_space<semaphore_mem>>) {add = true}
      %mul3A_44 = arith.constant 4 : i32
      %mul3A_45 = arith.muli %scan3A_26, %mul3A_44 : i32
      %add3A_46 = arith.constant 1 : i32
      %add3A_47 = arith.addi %mul3A_45, %add3A_46 : i32
      %dma_start3A_48 = arith.constant 0 : i32
      %dma_start3A_49 = tpu.memref_slice %arg7[%dma_start3A_48] : memref<128xf32, #tpu.memory_space<vmem>> -> memref<125xf32, #tpu.memory_space<vmem>>
      %dma_start3A_50 = arith.constant 0 : i32
      %dma_start3A_51 = tpu.memref_slice %arg5[%add3A_47, %dma_start3A_50] : memref<80x125xi32, #tpu.memory_space<vmem>> -> memref<1x125xi32, #tpu.memory_space<vmem>>
      %dma_start3A_52 = tpu.memref_squeeze %dma_start3A_51 : memref<1x125xi32, #tpu.memory_space<vmem>> -> memref<125xi32, #tpu.memory_space<vmem>>
      %dma_start3A_53 = arith.constant 0 : i32
      %dma_start3A_54 = tpu.memref_slice %arg9[%dma_start3A_53] : memref<10240xf32, #tpu.memory_space<vmem_shared>> -> memref<10240xf32, #tpu.memory_space<vmem_shared>>
      tpu.enqueue_indirect_dma source(%dma_start3A_49 : memref<125xf32, #tpu.memory_space<vmem>>) target(%dma_start3A_54 : memref<10240xf32, #tpu.memory_space<vmem_shared>>) offsets(%dma_start3A_52 : memref<125xi32, #tpu.memory_space<vmem>>) semaphore(%arg11 : memref<!tpu.dma_semaphore, #tpu.memory_space<semaphore_mem>>) {add = true}
      %dma_start3A_55 = arith.constant 0 : i32
      %dma_start3A_56 = tpu.memref_slice %arg7[%dma_start3A_55] : memref<128xf32, #tpu.memory_space<vmem>> -> memref<125xf32, #tpu.memory_space<vmem>>
      %dma_start3A_57 = arith.constant 0 : i32
      %dma_start3A_58 = tpu.memref_slice %arg6[%add3A_47, %dma_start3A_57] : memref<80x125xi32, #tpu.memory_space<vmem>> -> memref<1x125xi32, #tpu.memory_space<vmem>>
      %dma_start3A_59 = tpu.memref_squeeze %dma_start3A_58 : memref<1x125xi32, #tpu.memory_space<vmem>> -> memref<125xi32, #tpu.memory_space<vmem>>
      %dma_start3A_60 = arith.constant 0 : i32
      %dma_start3A_61 = tpu.memref_slice %arg10[%dma_start3A_60] : memref<10240xf32, #tpu.memory_space<vmem_shared>> -> memref<10240xf32, #tpu.memory_space<vmem_shared>>
      tpu.enqueue_indirect_dma source(%dma_start3A_56 : memref<125xf32, #tpu.memory_space<vmem>>) target(%dma_start3A_61 : memref<10240xf32, #tpu.memory_space<vmem_shared>>) offsets(%dma_start3A_59 : memref<125xi32, #tpu.memory_space<vmem>>) semaphore(%arg11 : memref<!tpu.dma_semaphore, #tpu.memory_space<semaphore_mem>>) {add = true}
      %mul3A_62 = arith.constant 4 : i32
      %mul3A_63 = arith.muli %scan3A_26, %mul3A_62 : i32
      %add3A_64 = arith.constant 2 : i32
      %add3A_65 = arith.addi %mul3A_63, %add3A_64 : i32
      %dma_start3A_66 = arith.constant 0 : i32
      %dma_start3A_67 = tpu.memref_slice %arg7[%dma_start3A_66] : memref<128xf32, #tpu.memory_space<vmem>> -> memref<125xf32, #tpu.memory_space<vmem>>
      %dma_start3A_68 = arith.constant 0 : i32
      %dma_start3A_69 = tpu.memref_slice %arg5[%add3A_65, %dma_start3A_68] : memref<80x125xi32, #tpu.memory_space<vmem>> -> memref<1x125xi32, #tpu.memory_space<vmem>>
      %dma_start3A_70 = tpu.memref_squeeze %dma_start3A_69 : memref<1x125xi32, #tpu.memory_space<vmem>> -> memref<125xi32, #tpu.memory_space<vmem>>
      %dma_start3A_71 = arith.constant 0 : i32
      %dma_start3A_72 = tpu.memref_slice %arg9[%dma_start3A_71] : memref<10240xf32, #tpu.memory_space<vmem_shared>> -> memref<10240xf32, #tpu.memory_space<vmem_shared>>
      tpu.enqueue_indirect_dma source(%dma_start3A_67 : memref<125xf32, #tpu.memory_space<vmem>>) target(%dma_start3A_72 : memref<10240xf32, #tpu.memory_space<vmem_shared>>) offsets(%dma_start3A_70 : memref<125xi32, #tpu.memory_space<vmem>>) semaphore(%arg11 : memref<!tpu.dma_semaphore, #tpu.memory_space<semaphore_mem>>) {add = true}
      %dma_start3A_73 = arith.constant 0 : i32
      %dma_start3A_74 = tpu.memref_slice %arg7[%dma_start3A_73] : memref<128xf32, #tpu.memory_space<vmem>> -> memref<125xf32, #tpu.memory_space<vmem>>
      %dma_start3A_75 = arith.constant 0 : i32
      %dma_start3A_76 = tpu.memref_slice %arg6[%add3A_65, %dma_start3A_75] : memref<80x125xi32, #tpu.memory_space<vmem>> -> memref<1x125xi32, #tpu.memory_space<vmem>>
      %dma_start3A_77 = tpu.memref_squeeze %dma_start3A_76 : memref<1x125xi32, #tpu.memory_space<vmem>> -> memref<125xi32, #tpu.memory_space<vmem>>
      %dma_start3A_78 = arith.constant 0 : i32
      %dma_start3A_79 = tpu.memref_slice %arg10[%dma_start3A_78] : memref<10240xf32, #tpu.memory_space<vmem_shared>> -> memref<10240xf32, #tpu.memory_space<vmem_shared>>
      tpu.enqueue_indirect_dma source(%dma_start3A_74 : memref<125xf32, #tpu.memory_space<vmem>>) target(%dma_start3A_79 : memref<10240xf32, #tpu.memory_space<vmem_shared>>) offsets(%dma_start3A_77 : memref<125xi32, #tpu.memory_space<vmem>>) semaphore(%arg11 : memref<!tpu.dma_semaphore, #tpu.memory_space<semaphore_mem>>) {add = true}
      %mul3A_80 = arith.constant 4 : i32
      %mul3A_81 = arith.muli %scan3A_26, %mul3A_80 : i32
      %add3A_82 = arith.constant 3 : i32
      %add3A_83 = arith.addi %mul3A_81, %add3A_82 : i32
      %dma_start3A_84 = arith.constant 0 : i32
      %dma_start3A_85 = tpu.memref_slice %arg7[%dma_start3A_84] : memref<128xf32, #tpu.memory_space<vmem>> -> memref<125xf32, #tpu.memory_space<vmem>>
      %dma_start3A_86 = arith.constant 0 : i32
      %dma_start3A_87 = tpu.memref_slice %arg5[%add3A_83, %dma_start3A_86] : memref<80x125xi32, #tpu.memory_space<vmem>> -> memref<1x125xi32, #tpu.memory_space<vmem>>
      %dma_start3A_88 = tpu.memref_squeeze %dma_start3A_87 : memref<1x125xi32, #tpu.memory_space<vmem>> -> memref<125xi32, #tpu.memory_space<vmem>>
      %dma_start3A_89 = arith.constant 0 : i32
      %dma_start3A_90 = tpu.memref_slice %arg9[%dma_start3A_89] : memref<10240xf32, #tpu.memory_space<vmem_shared>> -> memref<10240xf32, #tpu.memory_space<vmem_shared>>
      tpu.enqueue_indirect_dma source(%dma_start3A_85 : memref<125xf32, #tpu.memory_space<vmem>>) target(%dma_start3A_90 : memref<10240xf32, #tpu.memory_space<vmem_shared>>) offsets(%dma_start3A_88 : memref<125xi32, #tpu.memory_space<vmem>>) semaphore(%arg11 : memref<!tpu.dma_semaphore, #tpu.memory_space<semaphore_mem>>) {add = true}
      %dma_start3A_91 = arith.constant 0 : i32
      %dma_start3A_92 = tpu.memref_slice %arg7[%dma_start3A_91] : memref<128xf32, #tpu.memory_space<vmem>> -> memref<125xf32, #tpu.memory_space<vmem>>
      %dma_start3A_93 = arith.constant 0 : i32
      %dma_start3A_94 = tpu.memref_slice %arg6[%add3A_83, %dma_start3A_93] : memref<80x125xi32, #tpu.memory_space<vmem>> -> memref<1x125xi32, #tpu.memory_space<vmem>>
      %dma_start3A_95 = tpu.memref_squeeze %dma_start3A_94 : memref<1x125xi32, #tpu.memory_space<vmem>> -> memref<125xi32, #tpu.memory_space<vmem>>
      %dma_start3A_96 = arith.constant 0 : i32
      %dma_start3A_97 = tpu.memref_slice %arg10[%dma_start3A_96] : memref<10240xf32, #tpu.memory_space<vmem_shared>> -> memref<10240xf32, #tpu.memory_space<vmem_shared>>
      tpu.enqueue_indirect_dma source(%dma_start3A_92 : memref<125xf32, #tpu.memory_space<vmem>>) target(%dma_start3A_97 : memref<10240xf32, #tpu.memory_space<vmem_shared>>) offsets(%dma_start3A_95 : memref<125xi32, #tpu.memory_space<vmem>>) semaphore(%arg11 : memref<!tpu.dma_semaphore, #tpu.memory_space<semaphore_mem>>) {add = true}
      %dma_wait3A = arith.constant 0 : i32
      %dma_wait3A_98 = arith.constant 0 : i32
      %dma_wait3A_99 = tpu.memref_slice %arg7[%dma_wait3A_98] : memref<128xf32, #tpu.memory_space<vmem>> -> memref<125xf32, #tpu.memory_space<vmem>>
      %dma_wait3A_100 = arith.constant 0 : i32
      %dma_wait3A_101 = tpu.memref_slice %arg5[%dma_wait3A, %dma_wait3A_100] : memref<80x125xi32, #tpu.memory_space<vmem>> -> memref<1x125xi32, #tpu.memory_space<vmem>>
      %dma_wait3A_102 = tpu.memref_squeeze %dma_wait3A_101 : memref<1x125xi32, #tpu.memory_space<vmem>> -> memref<125xi32, #tpu.memory_space<vmem>>
      %dma_wait3A_103 = arith.constant 0 : i32
      %dma_wait3A_104 = tpu.memref_slice %arg9[%dma_wait3A_103] : memref<10240xf32, #tpu.memory_space<vmem_shared>> -> memref<10240xf32, #tpu.memory_space<vmem_shared>>
      tpu.wait_indirect_dma semaphore(%arg11 : memref<!tpu.dma_semaphore, #tpu.memory_space<semaphore_mem>>) src(%dma_wait3A_99 : memref<125xf32, #tpu.memory_space<vmem>>) dst(%dma_wait3A_104 : memref<10240xf32, #tpu.memory_space<vmem_shared>>)
      %dma_wait3A_105 = arith.constant 0 : i32
      %dma_wait3A_106 = arith.constant 0 : i32
      %dma_wait3A_107 = tpu.memref_slice %arg7[%dma_wait3A_106] : memref<128xf32, #tpu.memory_space<vmem>> -> memref<125xf32, #tpu.memory_space<vmem>>
      %dma_wait3A_108 = arith.constant 0 : i32
      %dma_wait3A_109 = tpu.memref_slice %arg5[%dma_wait3A_105, %dma_wait3A_108] : memref<80x125xi32, #tpu.memory_space<vmem>> -> memref<1x125xi32, #tpu.memory_space<vmem>>
      %dma_wait3A_110 = tpu.memref_squeeze %dma_wait3A_109 : memref<1x125xi32, #tpu.memory_space<vmem>> -> memref<125xi32, #tpu.memory_space<vmem>>
      %dma_wait3A_111 = arith.constant 0 : i32
      %dma_wait3A_112 = tpu.memref_slice %arg9[%dma_wait3A_111] : memref<10240xf32, #tpu.memory_space<vmem_shared>> -> memref<10240xf32, #tpu.memory_space<vmem_shared>>
      tpu.wait_indirect_dma semaphore(%arg11 : memref<!tpu.dma_semaphore, #tpu.memory_space<semaphore_mem>>) src(%dma_wait3A_107 : memref<125xf32, #tpu.memory_space<vmem>>) dst(%dma_wait3A_112 : memref<10240xf32, #tpu.memory_space<vmem_shared>>)
      %dma_wait3A_113 = arith.constant 0 : i32
      %dma_wait3A_114 = arith.constant 0 : i32
      %dma_wait3A_115 = tpu.memref_slice %arg7[%dma_wait3A_114] : memref<128xf32, #tpu.memory_space<vmem>> -> memref<125xf32, #tpu.memory_space<vmem>>
      %dma_wait3A_116 = arith.constant 0 : i32
      %dma_wait3A_117 = tpu.memref_slice %arg5[%dma_wait3A_113, %dma_wait3A_116] : memref<80x125xi32, #tpu.memory_space<vmem>> -> memref<1x125xi32, #tpu.memory_space<vmem>>
      %dma_wait3A_118 = tpu.memref_squeeze %dma_wait3A_117 : memref<1x125xi32, #tpu.memory_space<vmem>> -> memref<125xi32, #tpu.memory_space<vmem>>
      %dma_wait3A_119 = arith.constant 0 : i32
      %dma_wait3A_120 = tpu.memref_slice %arg9[%dma_wait3A_119] : memref<10240xf32, #tpu.memory_space<vmem_shared>> -> memref<10240xf32, #tpu.memory_space<vmem_shared>>
      tpu.wait_indirect_dma semaphore(%arg11 : memref<!tpu.dma_semaphore, #tpu.memory_space<semaphore_mem>>) src(%dma_wait3A_115 : memref<125xf32, #tpu.memory_space<vmem>>) dst(%dma_wait3A_120 : memref<10240xf32, #tpu.memory_space<vmem_shared>>)
      %dma_wait3A_121 = arith.constant 0 : i32
      %dma_wait3A_122 = arith.constant 0 : i32
      %dma_wait3A_123 = tpu.memref_slice %arg7[%dma_wait3A_122] : memref<128xf32, #tpu.memory_space<vmem>> -> memref<125xf32, #tpu.memory_space<vmem>>
      %dma_wait3A_124 = arith.constant 0 : i32
      %dma_wait3A_125 = tpu.memref_slice %arg5[%dma_wait3A_121, %dma_wait3A_124] : memref<80x125xi32, #tpu.memory_space<vmem>> -> memref<1x125xi32, #tpu.memory_space<vmem>>
      %dma_wait3A_126 = tpu.memref_squeeze %dma_wait3A_125 : memref<1x125xi32, #tpu.memory_space<vmem>> -> memref<125xi32, #tpu.memory_space<vmem>>
      %dma_wait3A_127 = arith.constant 0 : i32
      %dma_wait3A_128 = tpu.memref_slice %arg9[%dma_wait3A_127] : memref<10240xf32, #tpu.memory_space<vmem_shared>> -> memref<10240xf32, #tpu.memory_space<vmem_shared>>
      tpu.wait_indirect_dma semaphore(%arg11 : memref<!tpu.dma_semaphore, #tpu.memory_space<semaphore_mem>>) src(%dma_wait3A_123 : memref<125xf32, #tpu.memory_space<vmem>>) dst(%dma_wait3A_128 : memref<10240xf32, #tpu.memory_space<vmem_shared>>)
      %dma_wait3A_129 = arith.constant 0 : i32
      %dma_wait3A_130 = arith.constant 0 : i32
      %dma_wait3A_131 = tpu.memref_slice %arg7[%dma_wait3A_130] : memref<128xf32, #tpu.memory_space<vmem>> -> memref<125xf32, #tpu.memory_space<vmem>>
      %dma_wait3A_132 = arith.constant 0 : i32
      %dma_wait3A_133 = tpu.memref_slice %arg5[%dma_wait3A_129, %dma_wait3A_132] : memref<80x125xi32, #tpu.memory_space<vmem>> -> memref<1x125xi32, #tpu.memory_space<vmem>>
      %dma_wait3A_134 = tpu.memref_squeeze %dma_wait3A_133 : memref<1x125xi32, #tpu.memory_space<vmem>> -> memref<125xi32, #tpu.memory_space<vmem>>
      %dma_wait3A_135 = arith.constant 0 : i32
      %dma_wait3A_136 = tpu.memref_slice %arg9[%dma_wait3A_135] : memref<10240xf32, #tpu.memory_space<vmem_shared>> -> memref<10240xf32, #tpu.memory_space<vmem_shared>>
      tpu.wait_indirect_dma semaphore(%arg11 : memref<!tpu.dma_semaphore, #tpu.memory_space<semaphore_mem>>) src(%dma_wait3A_131 : memref<125xf32, #tpu.memory_space<vmem>>) dst(%dma_wait3A_136 : memref<10240xf32, #tpu.memory_space<vmem_shared>>)
      %dma_wait3A_137 = arith.constant 0 : i32
      %dma_wait3A_138 = arith.constant 0 : i32
      %dma_wait3A_139 = tpu.memref_slice %arg7[%dma_wait3A_138] : memref<128xf32, #tpu.memory_space<vmem>> -> memref<125xf32, #tpu.memory_space<vmem>>
      %dma_wait3A_140 = arith.constant 0 : i32
      %dma_wait3A_141 = tpu.memref_slice %arg5[%dma_wait3A_137, %dma_wait3A_140] : memref<80x125xi32, #tpu.memory_space<vmem>> -> memref<1x125xi32, #tpu.memory_space<vmem>>
      %dma_wait3A_142 = tpu.memref_squeeze %dma_wait3A_141 : memref<1x125xi32, #tpu.memory_space<vmem>> -> memref<125xi32, #tpu.memory_space<vmem>>
      %dma_wait3A_143 = arith.constant 0 : i32
      %dma_wait3A_144 = tpu.memref_slice %arg9[%dma_wait3A_143] : memref<10240xf32, #tpu.memory_space<vmem_shared>> -> memref<10240xf32, #tpu.memory_space<vmem_shared>>
      tpu.wait_indirect_dma semaphore(%arg11 : memref<!tpu.dma_semaphore, #tpu.memory_space<semaphore_mem>>) src(%dma_wait3A_139 : memref<125xf32, #tpu.memory_space<vmem>>) dst(%dma_wait3A_144 : memref<10240xf32, #tpu.memory_space<vmem_shared>>)
      %dma_wait3A_145 = arith.constant 0 : i32
      %dma_wait3A_146 = arith.constant 0 : i32
      %dma_wait3A_147 = tpu.memref_slice %arg7[%dma_wait3A_146] : memref<128xf32, #tpu.memory_space<vmem>> -> memref<125xf32, #tpu.memory_space<vmem>>
      %dma_wait3A_148 = arith.constant 0 : i32
      %dma_wait3A_149 = tpu.memref_slice %arg5[%dma_wait3A_145, %dma_wait3A_148] : memref<80x125xi32, #tpu.memory_space<vmem>> -> memref<1x125xi32, #tpu.memory_space<vmem>>
      %dma_wait3A_150 = tpu.memref_squeeze %dma_wait3A_149 : memref<1x125xi32, #tpu.memory_space<vmem>> -> memref<125xi32, #tpu.memory_space<vmem>>
      %dma_wait3A_151 = arith.constant 0 : i32
      %dma_wait3A_152 = tpu.memref_slice %arg9[%dma_wait3A_151] : memref<10240xf32, #tpu.memory_space<vmem_shared>> -> memref<10240xf32, #tpu.memory_space<vmem_shared>>
      tpu.wait_indirect_dma semaphore(%arg11 : memref<!tpu.dma_semaphore, #tpu.memory_space<semaphore_mem>>) src(%dma_wait3A_147 : memref<125xf32, #tpu.memory_space<vmem>>) dst(%dma_wait3A_152 : memref<10240xf32, #tpu.memory_space<vmem_shared>>)
      %dma_wait3A_153 = arith.constant 0 : i32
      %dma_wait3A_154 = arith.constant 0 : i32
      %dma_wait3A_155 = tpu.memref_slice %arg7[%dma_wait3A_154] : memref<128xf32, #tpu.memory_space<vmem>> -> memref<125xf32, #tpu.memory_space<vmem>>
      %dma_wait3A_156 = arith.constant 0 : i32
      %dma_wait3A_157 = tpu.memref_slice %arg5[%dma_wait3A_153, %dma_wait3A_156] : memref<80x125xi32, #tpu.memory_space<vmem>> -> memref<1x125xi32, #tpu.memory_space<vmem>>
      %dma_wait3A_158 = tpu.memref_squeeze %dma_wait3A_157 : memref<1x125xi32, #tpu.memory_space<vmem>> -> memref<125xi32, #tpu.memory_space<vmem>>
      %dma_wait3A_159 = arith.constant 0 : i32
      %dma_wait3A_160 = tpu.memref_slice %arg9[%dma_wait3A_159] : memref<10240xf32, #tpu.memory_space<vmem_shared>> -> memref<10240xf32, #tpu.memory_space<vmem_shared>>
      tpu.wait_indirect_dma semaphore(%arg11 : memref<!tpu.dma_semaphore, #tpu.memory_space<semaphore_mem>>) src(%dma_wait3A_155 : memref<125xf32, #tpu.memory_space<vmem>>) dst(%dma_wait3A_160 : memref<10240xf32, #tpu.memory_space<vmem_shared>>)
    }
    %scan3A_21 = arith.constant 20 : i32
    %barrier3A_22 = arith.constant 0 : index
    tpu.barrier barrier_id(%barrier3A_22)
    %mul3A_23 = arith.constant 640 : i32
    %mul3A_24 = arith.muli %arg1, %mul3A_23 : i32
    %run_scoped3A = arith.constant 0 : i32
    "tpu.region"() ({
      %run_scoped3A_26 = tpu.sem_alloc : memref<!tpu.dma_semaphore, #tpu.memory_space<semaphore_mem>>
      %dma_start3A = tpu.memref_slice %arg4[%arg0, %run_scoped3A, %mul3A_24] : memref<2x2x10240xf32, #tpu.memory_space<hbm>> -> memref<1x1x640xf32, #tpu.memory_space<hbm>>
      %dma_start3A_27 = tpu.memref_squeeze %dma_start3A : memref<1x1x640xf32, #tpu.memory_space<hbm>> -> memref<640xf32, #tpu.memory_space<hbm>>
      %dma_start3A_28 = tpu.memref_slice %arg9[%mul3A_24] : memref<10240xf32, #tpu.memory_space<vmem_shared>> -> memref<640xf32, #tpu.memory_space<vmem_shared>>
      tpu.enqueue_dma source(%dma_start3A_28 : memref<640xf32, #tpu.memory_space<vmem_shared>>) target(%dma_start3A_27 : memref<640xf32, #tpu.memory_space<hbm>>) target_semaphore(%run_scoped3A_26 : memref<!tpu.dma_semaphore, #tpu.memory_space<semaphore_mem>>)
      %dma_wait3A = tpu.memref_slice %arg4[%arg0, %run_scoped3A, %mul3A_24] : memref<2x2x10240xf32, #tpu.memory_space<hbm>> -> memref<1x1x640xf32, #tpu.memory_space<hbm>>
      %dma_wait3A_29 = tpu.memref_squeeze %dma_wait3A : memref<1x1x640xf32, #tpu.memory_space<hbm>> -> memref<640xf32, #tpu.memory_space<hbm>>
      %dma_wait3A_30 = tpu.memref_slice %arg9[%mul3A_24] : memref<10240xf32, #tpu.memory_space<vmem_shared>> -> memref<640xf32, #tpu.memory_space<vmem_shared>>
      tpu.wait_dma2 semaphore(%run_scoped3A_26 : memref<!tpu.dma_semaphore, #tpu.memory_space<semaphore_mem>>) src(%dma_wait3A_30 : memref<640xf32, #tpu.memory_space<vmem_shared>>) dst(%dma_wait3A_29 : memref<640xf32, #tpu.memory_space<hbm>>)
      tpu.yield
    }) : () -> ()
    %run_scoped3A_25 = arith.constant 1 : i32
    "tpu.region"() ({
      %run_scoped3A_26 = tpu.sem_alloc : memref<!tpu.dma_semaphore, #tpu.memory_space<semaphore_mem>>
      %dma_start3A = tpu.memref_slice %arg4[%arg0, %run_scoped3A_25, %mul3A_24] : memref<2x2x10240xf32, #tpu.memory_space<hbm>> -> memref<1x1x640xf32, #tpu.memory_space<hbm>>
      %dma_start3A_27 = tpu.memref_squeeze %dma_start3A : memref<1x1x640xf32, #tpu.memory_space<hbm>> -> memref<640xf32, #tpu.memory_space<hbm>>
      %dma_start3A_28 = tpu.memref_slice %arg10[%mul3A_24] : memref<10240xf32, #tpu.memory_space<vmem_shared>> -> memref<640xf32, #tpu.memory_space<vmem_shared>>
      tpu.enqueue_dma source(%dma_start3A_28 : memref<640xf32, #tpu.memory_space<vmem_shared>>) target(%dma_start3A_27 : memref<640xf32, #tpu.memory_space<hbm>>) target_semaphore(%run_scoped3A_26 : memref<!tpu.dma_semaphore, #tpu.memory_space<semaphore_mem>>)
      %dma_wait3A = tpu.memref_slice %arg4[%arg0, %run_scoped3A_25, %mul3A_24] : memref<2x2x10240xf32, #tpu.memory_space<hbm>> -> memref<1x1x640xf32, #tpu.memory_space<hbm>>
      %dma_wait3A_29 = tpu.memref_squeeze %dma_wait3A : memref<1x1x640xf32, #tpu.memory_space<hbm>> -> memref<640xf32, #tpu.memory_space<hbm>>
      %dma_wait3A_30 = tpu.memref_slice %arg10[%mul3A_24] : memref<10240xf32, #tpu.memory_space<vmem_shared>> -> memref<640xf32, #tpu.memory_space<vmem_shared>>
      tpu.wait_dma2 semaphore(%run_scoped3A_26 : memref<!tpu.dma_semaphore, #tpu.memory_space<semaphore_mem>>) src(%dma_wait3A_30 : memref<640xf32, #tpu.memory_space<vmem_shared>>) dst(%dma_wait3A_29 : memref<640xf32, #tpu.memory_space<hbm>>)
      tpu.yield
    }) : () -> ()
    return
  }
}

#map = affine_map<(d0, d1) -> (0, 0)>
#map1 = affine_map<(d0, d1) -> (0)>
#map2 = affine_map<(d0, d1) -> (0, 0, 0, 0)>
#map3 = affine_map<(d0, d1) -> (0, 0, 0)>
module attributes {stable_mosaic.version = 14 : i64} {
  func.func @_edge_kernel(%arg0: i32, %arg1: i32, %arg2: memref<20000x64xf32, #tpu.memory_space<hbm>>, %arg3: memref<10240xf32, #tpu.memory_space<hbm>>, %arg4: memref<2x16x160x125xi32, #tpu.memory_space<hbm>>, %arg5: memref<16x160x125xi32, #tpu.memory_space<hbm>>, %arg6: memref<16x160x125xi32, #tpu.memory_space<hbm>>, %arg7: memref<10240x128xf32, #tpu.memory_space<hbm>>, %arg8: memref<2x10240xf32, #tpu.memory_space<hbm>>, %arg9: memref<160x125xi32, #tpu.memory_space<vmem>>, %arg10: memref<80x125xi32, #tpu.memory_space<vmem>>, %arg11: memref<160x125xi32, #tpu.memory_space<vmem>>, %arg12: memref<125x64xf32, #tpu.memory_space<vmem>>, %arg13: memref<125x64xf32, #tpu.memory_space<vmem>>, %arg14: memref<125x64xf32, #tpu.memory_space<vmem>>, %arg15: memref<125x64xf32, #tpu.memory_space<vmem>>, %arg16: memref<125xf32, #tpu.memory_space<vmem>>, %arg17: memref<125xf32, #tpu.memory_space<vmem>>, %arg18: memref<64x64xf32, #tpu.memory_space<vmem>>, %arg19: memref<640xf32, #tpu.memory_space<vmem>>, %arg20: memref<10240x64xf32, #tpu.memory_space<vmem_shared>>, %arg21: memref<10240xf32, #tpu.memory_space<vmem_shared>>, %arg22: memref<!tpu.dma_semaphore, #tpu.memory_space<semaphore_mem>>, %arg23: memref<!tpu.dma_semaphore, #tpu.memory_space<semaphore_mem>>, %arg24: memref<!tpu.dma_semaphore, #tpu.memory_space<semaphore_mem>>, %arg25: memref<!tpu.dma_semaphore, #tpu.memory_space<semaphore_mem>>, %arg26: memref<!tpu.dma_semaphore, #tpu.memory_space<semaphore_mem>>, %arg27: memref<!tpu.dma_semaphore, #tpu.memory_space<semaphore_mem>>) attributes {dimension_semantics = [#tpu.dimension_semantics<core_parallel>, #tpu.dimension_semantics<subcore_parallel>], iteration_bounds = array<i64: 2, 16>, scalar_prefetch = 0 : i64, scratch_operands = 19 : i64, tpu.core_type = #tpu.core_type<sc_vector_subcore>, window_params = [{transform_indices = #map}, {transform_indices = #map1}, {transform_indices = #map2}, {transform_indices = #map3}, {transform_indices = #map3}, {transform_indices = #map}, {transform_indices = #map}]} {
    "tpu.region"() ({
      %run_scoped3A = tpu.sem_alloc : memref<!tpu.dma_semaphore, #tpu.memory_space<semaphore_mem>>
      %dma_start3A_148 = arith.constant 0 : i32
      %dma_start3A_149 = arith.constant 0 : i32
      %dma_start3A_150 = tpu.memref_slice %arg4[%arg0, %arg1, %dma_start3A_148, %dma_start3A_149] : memref<2x16x160x125xi32, #tpu.memory_space<hbm>> -> memref<1x1x160x125xi32, #tpu.memory_space<hbm>>
      %dma_start3A_151 = tpu.memref_squeeze %dma_start3A_150 : memref<1x1x160x125xi32, #tpu.memory_space<hbm>> -> memref<160x125xi32, #tpu.memory_space<hbm>>
      %dma_start3A_152 = arith.constant 0 : i32
      %dma_start3A_153 = arith.constant 0 : i32
      %dma_start3A_154 = tpu.memref_slice %arg4[%arg0, %arg1, %dma_start3A_152, %dma_start3A_153] : memref<2x16x160x125xi32, #tpu.memory_space<hbm>> -> memref<1x1x160x125xi32, #tpu.memory_space<hbm>>
      %dma_start3A_155 = tpu.memref_squeeze %dma_start3A_154 : memref<1x1x160x125xi32, #tpu.memory_space<hbm>> -> memref<160x125xi32, #tpu.memory_space<hbm>>
      tpu.enqueue_dma source(%dma_start3A_155 : memref<160x125xi32, #tpu.memory_space<hbm>>) target(%arg9 : memref<160x125xi32, #tpu.memory_space<vmem>>) target_semaphore(%run_scoped3A : memref<!tpu.dma_semaphore, #tpu.memory_space<semaphore_mem>>)
      %dma_wait3A_156 = arith.constant 0 : i32
      %dma_wait3A_157 = arith.constant 0 : i32
      %dma_wait3A_158 = tpu.memref_slice %arg4[%arg0, %arg1, %dma_wait3A_156, %dma_wait3A_157] : memref<2x16x160x125xi32, #tpu.memory_space<hbm>> -> memref<1x1x160x125xi32, #tpu.memory_space<hbm>>
      %dma_wait3A_159 = tpu.memref_squeeze %dma_wait3A_158 : memref<1x1x160x125xi32, #tpu.memory_space<hbm>> -> memref<160x125xi32, #tpu.memory_space<hbm>>
      %dma_wait3A_160 = arith.constant 0 : i32
      %dma_wait3A_161 = arith.constant 0 : i32
      %dma_wait3A_162 = tpu.memref_slice %arg4[%arg0, %arg1, %dma_wait3A_160, %dma_wait3A_161] : memref<2x16x160x125xi32, #tpu.memory_space<hbm>> -> memref<1x1x160x125xi32, #tpu.memory_space<hbm>>
      %dma_wait3A_163 = tpu.memref_squeeze %dma_wait3A_162 : memref<1x1x160x125xi32, #tpu.memory_space<hbm>> -> memref<160x125xi32, #tpu.memory_space<hbm>>
      tpu.wait_dma2 semaphore(%run_scoped3A : memref<!tpu.dma_semaphore, #tpu.memory_space<semaphore_mem>>) src(%dma_wait3A_163 : memref<160x125xi32, #tpu.memory_space<hbm>>) dst(%arg9 : memref<160x125xi32, #tpu.memory_space<vmem>>)
      tpu.yield
    }) : () -> ()
    %mul3A = arith.constant 80 : i32
    %mul3A_0 = arith.muli %arg0, %mul3A : i32
    "tpu.region"() ({
      %run_scoped3A = tpu.sem_alloc : memref<!tpu.dma_semaphore, #tpu.memory_space<semaphore_mem>>
      %dma_start3A_148 = arith.constant 0 : i32
      %dma_start3A_149 = tpu.memref_slice %arg5[%arg1, %mul3A_0, %dma_start3A_148] : memref<16x160x125xi32, #tpu.memory_space<hbm>> -> memref<1x80x125xi32, #tpu.memory_space<hbm>>
      %dma_start3A_150 = tpu.memref_squeeze %dma_start3A_149 : memref<1x80x125xi32, #tpu.memory_space<hbm>> -> memref<80x125xi32, #tpu.memory_space<hbm>>
      %dma_start3A_151 = arith.constant 0 : i32
      %dma_start3A_152 = tpu.memref_slice %arg5[%arg1, %mul3A_0, %dma_start3A_151] : memref<16x160x125xi32, #tpu.memory_space<hbm>> -> memref<1x80x125xi32, #tpu.memory_space<hbm>>
      %dma_start3A_153 = tpu.memref_squeeze %dma_start3A_152 : memref<1x80x125xi32, #tpu.memory_space<hbm>> -> memref<80x125xi32, #tpu.memory_space<hbm>>
      tpu.enqueue_dma source(%dma_start3A_153 : memref<80x125xi32, #tpu.memory_space<hbm>>) target(%arg10 : memref<80x125xi32, #tpu.memory_space<vmem>>) target_semaphore(%run_scoped3A : memref<!tpu.dma_semaphore, #tpu.memory_space<semaphore_mem>>)
      %dma_wait3A_154 = arith.constant 0 : i32
      %dma_wait3A_155 = tpu.memref_slice %arg5[%arg1, %mul3A_0, %dma_wait3A_154] : memref<16x160x125xi32, #tpu.memory_space<hbm>> -> memref<1x80x125xi32, #tpu.memory_space<hbm>>
      %dma_wait3A_156 = tpu.memref_squeeze %dma_wait3A_155 : memref<1x80x125xi32, #tpu.memory_space<hbm>> -> memref<80x125xi32, #tpu.memory_space<hbm>>
      %dma_wait3A_157 = arith.constant 0 : i32
      %dma_wait3A_158 = tpu.memref_slice %arg5[%arg1, %mul3A_0, %dma_wait3A_157] : memref<16x160x125xi32, #tpu.memory_space<hbm>> -> memref<1x80x125xi32, #tpu.memory_space<hbm>>
      %dma_wait3A_159 = tpu.memref_squeeze %dma_wait3A_158 : memref<1x80x125xi32, #tpu.memory_space<hbm>> -> memref<80x125xi32, #tpu.memory_space<hbm>>
      tpu.wait_dma2 semaphore(%run_scoped3A : memref<!tpu.dma_semaphore, #tpu.memory_space<semaphore_mem>>) src(%dma_wait3A_159 : memref<80x125xi32, #tpu.memory_space<hbm>>) dst(%arg10 : memref<80x125xi32, #tpu.memory_space<vmem>>)
      tpu.yield
    }) : () -> ()
    "tpu.region"() ({
      %run_scoped3A = tpu.sem_alloc : memref<!tpu.dma_semaphore, #tpu.memory_space<semaphore_mem>>
      %dma_start3A_148 = arith.constant 0 : i32
      %dma_start3A_149 = arith.constant 0 : i32
      %dma_start3A_150 = tpu.memref_slice %arg6[%arg1, %dma_start3A_148, %dma_start3A_149] : memref<16x160x125xi32, #tpu.memory_space<hbm>> -> memref<1x160x125xi32, #tpu.memory_space<hbm>>
      %dma_start3A_151 = tpu.memref_squeeze %dma_start3A_150 : memref<1x160x125xi32, #tpu.memory_space<hbm>> -> memref<160x125xi32, #tpu.memory_space<hbm>>
      %dma_start3A_152 = arith.constant 0 : i32
      %dma_start3A_153 = arith.constant 0 : i32
      %dma_start3A_154 = tpu.memref_slice %arg6[%arg1, %dma_start3A_152, %dma_start3A_153] : memref<16x160x125xi32, #tpu.memory_space<hbm>> -> memref<1x160x125xi32, #tpu.memory_space<hbm>>
      %dma_start3A_155 = tpu.memref_squeeze %dma_start3A_154 : memref<1x160x125xi32, #tpu.memory_space<hbm>> -> memref<160x125xi32, #tpu.memory_space<hbm>>
      tpu.enqueue_dma source(%dma_start3A_155 : memref<160x125xi32, #tpu.memory_space<hbm>>) target(%arg11 : memref<160x125xi32, #tpu.memory_space<vmem>>) target_semaphore(%run_scoped3A : memref<!tpu.dma_semaphore, #tpu.memory_space<semaphore_mem>>)
      %dma_wait3A_156 = arith.constant 0 : i32
      %dma_wait3A_157 = arith.constant 0 : i32
      %dma_wait3A_158 = tpu.memref_slice %arg6[%arg1, %dma_wait3A_156, %dma_wait3A_157] : memref<16x160x125xi32, #tpu.memory_space<hbm>> -> memref<1x160x125xi32, #tpu.memory_space<hbm>>
      %dma_wait3A_159 = tpu.memref_squeeze %dma_wait3A_158 : memref<1x160x125xi32, #tpu.memory_space<hbm>> -> memref<160x125xi32, #tpu.memory_space<hbm>>
      %dma_wait3A_160 = arith.constant 0 : i32
      %dma_wait3A_161 = arith.constant 0 : i32
      %dma_wait3A_162 = tpu.memref_slice %arg6[%arg1, %dma_wait3A_160, %dma_wait3A_161] : memref<16x160x125xi32, #tpu.memory_space<hbm>> -> memref<1x160x125xi32, #tpu.memory_space<hbm>>
      %dma_wait3A_163 = tpu.memref_squeeze %dma_wait3A_162 : memref<1x160x125xi32, #tpu.memory_space<hbm>> -> memref<160x125xi32, #tpu.memory_space<hbm>>
      tpu.wait_dma2 semaphore(%run_scoped3A : memref<!tpu.dma_semaphore, #tpu.memory_space<semaphore_mem>>) src(%dma_wait3A_163 : memref<160x125xi32, #tpu.memory_space<hbm>>) dst(%arg11 : memref<160x125xi32, #tpu.memory_space<vmem>>)
      tpu.yield
    }) : () -> ()
    %dma_start3A = arith.constant 0 : i32
    %dma_start3A_1 = arith.constant 0 : i32
    %dma_start3A_2 = tpu.memref_slice %arg9[%dma_start3A, %dma_start3A_1] : memref<160x125xi32, #tpu.memory_space<vmem>> -> memref<1x125xi32, #tpu.memory_space<vmem>>
    %dma_start3A_3 = tpu.memref_squeeze %dma_start3A_2 : memref<1x125xi32, #tpu.memory_space<vmem>> -> memref<125xi32, #tpu.memory_space<vmem>>
    %dma_start3A_4 = arith.constant 0 : i32
    %dma_start3A_5 = arith.constant 0 : i32
    %dma_start3A_6 = tpu.memref_slice %arg2[%dma_start3A_4, %dma_start3A_5] : memref<20000x64xf32, #tpu.memory_space<hbm>> -> memref<20000x64xf32, #tpu.memory_space<hbm>>
    tpu.enqueue_indirect_dma source(%dma_start3A_6 : memref<20000x64xf32, #tpu.memory_space<hbm>>) target(%arg12 : memref<125x64xf32, #tpu.memory_space<vmem>>) offsets(%dma_start3A_3 : memref<125xi32, #tpu.memory_space<vmem>>) semaphore(%arg22 : memref<!tpu.dma_semaphore, #tpu.memory_space<semaphore_mem>>)
    %dma_start3A_7 = arith.constant 1 : i32
    %dma_start3A_8 = arith.constant 0 : i32
    %dma_start3A_9 = tpu.memref_slice %arg9[%dma_start3A_7, %dma_start3A_8] : memref<160x125xi32, #tpu.memory_space<vmem>> -> memref<1x125xi32, #tpu.memory_space<vmem>>
    %dma_start3A_10 = tpu.memref_squeeze %dma_start3A_9 : memref<1x125xi32, #tpu.memory_space<vmem>> -> memref<125xi32, #tpu.memory_space<vmem>>
    %dma_start3A_11 = arith.constant 0 : i32
    %dma_start3A_12 = arith.constant 0 : i32
    %dma_start3A_13 = tpu.memref_slice %arg2[%dma_start3A_11, %dma_start3A_12] : memref<20000x64xf32, #tpu.memory_space<hbm>> -> memref<20000x64xf32, #tpu.memory_space<hbm>>
    tpu.enqueue_indirect_dma source(%dma_start3A_13 : memref<20000x64xf32, #tpu.memory_space<hbm>>) target(%arg13 : memref<125x64xf32, #tpu.memory_space<vmem>>) offsets(%dma_start3A_10 : memref<125xi32, #tpu.memory_space<vmem>>) semaphore(%arg23 : memref<!tpu.dma_semaphore, #tpu.memory_space<semaphore_mem>>)
    %dma_start3A_14 = arith.constant 2 : i32
    %dma_start3A_15 = arith.constant 0 : i32
    %dma_start3A_16 = tpu.memref_slice %arg9[%dma_start3A_14, %dma_start3A_15] : memref<160x125xi32, #tpu.memory_space<vmem>> -> memref<1x125xi32, #tpu.memory_space<vmem>>
    %dma_start3A_17 = tpu.memref_squeeze %dma_start3A_16 : memref<1x125xi32, #tpu.memory_space<vmem>> -> memref<125xi32, #tpu.memory_space<vmem>>
    %dma_start3A_18 = arith.constant 0 : i32
    %dma_start3A_19 = arith.constant 0 : i32
    %dma_start3A_20 = tpu.memref_slice %arg2[%dma_start3A_18, %dma_start3A_19] : memref<20000x64xf32, #tpu.memory_space<hbm>> -> memref<20000x64xf32, #tpu.memory_space<hbm>>
    tpu.enqueue_indirect_dma source(%dma_start3A_20 : memref<20000x64xf32, #tpu.memory_space<hbm>>) target(%arg14 : memref<125x64xf32, #tpu.memory_space<vmem>>) offsets(%dma_start3A_17 : memref<125xi32, #tpu.memory_space<vmem>>) semaphore(%arg24 : memref<!tpu.dma_semaphore, #tpu.memory_space<semaphore_mem>>)
    %dma_start3A_21 = arith.constant 3 : i32
    %dma_start3A_22 = arith.constant 0 : i32
    %dma_start3A_23 = tpu.memref_slice %arg9[%dma_start3A_21, %dma_start3A_22] : memref<160x125xi32, #tpu.memory_space<vmem>> -> memref<1x125xi32, #tpu.memory_space<vmem>>
    %dma_start3A_24 = tpu.memref_squeeze %dma_start3A_23 : memref<1x125xi32, #tpu.memory_space<vmem>> -> memref<125xi32, #tpu.memory_space<vmem>>
    %dma_start3A_25 = arith.constant 0 : i32
    %dma_start3A_26 = arith.constant 0 : i32
    %dma_start3A_27 = tpu.memref_slice %arg2[%dma_start3A_25, %dma_start3A_26] : memref<20000x64xf32, #tpu.memory_space<hbm>> -> memref<20000x64xf32, #tpu.memory_space<hbm>>
    tpu.enqueue_indirect_dma source(%dma_start3A_27 : memref<20000x64xf32, #tpu.memory_space<hbm>>) target(%arg15 : memref<125x64xf32, #tpu.memory_space<vmem>>) offsets(%dma_start3A_24 : memref<125xi32, #tpu.memory_space<vmem>>) semaphore(%arg25 : memref<!tpu.dma_semaphore, #tpu.memory_space<semaphore_mem>>)
    %mul3A_28 = arith.constant 80 : i32
    %mul3A_29 = arith.muli %arg0, %mul3A_28 : i32
    %add3A = arith.constant 0 : i32
    %add3A_30 = arith.addi %mul3A_29, %add3A : i32
    %dma_start3A_31 = arith.constant 0 : i32
    %dma_start3A_32 = tpu.memref_slice %arg11[%add3A_30, %dma_start3A_31] : memref<160x125xi32, #tpu.memory_space<vmem>> -> memref<1x125xi32, #tpu.memory_space<vmem>>
    %dma_start3A_33 = tpu.memref_squeeze %dma_start3A_32 : memref<1x125xi32, #tpu.memory_space<vmem>> -> memref<125xi32, #tpu.memory_space<vmem>>
    %dma_start3A_34 = arith.constant 0 : i32
    %dma_start3A_35 = tpu.memref_slice %arg3[%dma_start3A_34] : memref<10240xf32, #tpu.memory_space<hbm>> -> memref<10240xf32, #tpu.memory_space<hbm>>
    tpu.enqueue_indirect_dma source(%dma_start3A_35 : memref<10240xf32, #tpu.memory_space<hbm>>) target(%arg16 : memref<125xf32, #tpu.memory_space<vmem>>) offsets(%dma_start3A_33 : memref<125xi32, #tpu.memory_space<vmem>>) semaphore(%arg26 : memref<!tpu.dma_semaphore, #tpu.memory_space<semaphore_mem>>)
    %mul3A_36 = arith.constant 80 : i32
    %mul3A_37 = arith.muli %arg0, %mul3A_36 : i32
    %add3A_38 = arith.constant 1 : i32
    %add3A_39 = arith.addi %mul3A_37, %add3A_38 : i32
    %dma_start3A_40 = arith.constant 0 : i32
    %dma_start3A_41 = tpu.memref_slice %arg11[%add3A_39, %dma_start3A_40] : memref<160x125xi32, #tpu.memory_space<vmem>> -> memref<1x125xi32, #tpu.memory_space<vmem>>
    %dma_start3A_42 = tpu.memref_squeeze %dma_start3A_41 : memref<1x125xi32, #tpu.memory_space<vmem>> -> memref<125xi32, #tpu.memory_space<vmem>>
    %dma_start3A_43 = arith.constant 0 : i32
    %dma_start3A_44 = tpu.memref_slice %arg3[%dma_start3A_43] : memref<10240xf32, #tpu.memory_space<hbm>> -> memref<10240xf32, #tpu.memory_space<hbm>>
    tpu.enqueue_indirect_dma source(%dma_start3A_44 : memref<10240xf32, #tpu.memory_space<hbm>>) target(%arg17 : memref<125xf32, #tpu.memory_space<vmem>>) offsets(%dma_start3A_42 : memref<125xi32, #tpu.memory_space<vmem>>) semaphore(%arg27 : memref<!tpu.dma_semaphore, #tpu.memory_space<semaphore_mem>>)
    %scan3A = arith.constant 0 : i32
    %scan3A_45 = arith.constant 0 : i32
    %scan3A_46 = arith.constant 64 : i32
    %scan3A_47 = arith.addi %scan3A_45, %scan3A_46 : i32
    %scan3A_48 = arith.constant 1 : i32
    scf.for %scan3A_148 = %scan3A_45 to %scan3A_47 step %scan3A_48  : i32 {
      %broadcast_in_dim3A = arith.constant 0.000000e+00 : f32
      %broadcast_in_dim3A_149 = vector.broadcast %broadcast_in_dim3A : f32 to vector<16xf32>
      %swap3A = arith.index_cast %scan3A_148 : i32 to index
      %swap3A_150 = arith.constant 0 : index
      %swap3A_151 = tpu.vector_load %arg18[%swap3A, %swap3A_150] {strides = array<i32>} : memref<64x64xf32, #tpu.memory_space<vmem>>, vector<1x16xf32>,
      %swap3A_152 = vector.shape_cast %swap3A_151 : vector<1x16xf32> to vector<16xf32>
      %swap3A_153 = vector.shape_cast %broadcast_in_dim3A_149 : vector<16xf32> to vector<1x16xf32>
      tpu.vector_store %arg18[%swap3A, %swap3A_150], %swap3A_153 {strides = array<i32>} : memref<64x64xf32, #tpu.memory_space<vmem>>, vector<1x16xf32>,
      %broadcast_in_dim3A_154 = arith.constant 0.000000e+00 : f32
      %broadcast_in_dim3A_155 = vector.broadcast %broadcast_in_dim3A_154 : f32 to vector<16xf32>
      %swap3A_156 = arith.index_cast %scan3A_148 : i32 to index
      %swap3A_157 = arith.constant 16 : index
      %swap3A_158 = tpu.vector_load %arg18[%swap3A_156, %swap3A_157] {strides = array<i32>} : memref<64x64xf32, #tpu.memory_space<vmem>>, vector<1x16xf32>,
      %swap3A_159 = vector.shape_cast %swap3A_158 : vector<1x16xf32> to vector<16xf32>
      %swap3A_160 = vector.shape_cast %broadcast_in_dim3A_155 : vector<16xf32> to vector<1x16xf32>
      tpu.vector_store %arg18[%swap3A_156, %swap3A_157], %swap3A_160 {strides = array<i32>} : memref<64x64xf32, #tpu.memory_space<vmem>>, vector<1x16xf32>,
      %broadcast_in_dim3A_161 = arith.constant 0.000000e+00 : f32
      %broadcast_in_dim3A_162 = vector.broadcast %broadcast_in_dim3A_161 : f32 to vector<16xf32>
      %swap3A_163 = arith.index_cast %scan3A_148 : i32 to index
      %swap3A_164 = arith.constant 32 : index
      %swap3A_165 = tpu.vector_load %arg18[%swap3A_163, %swap3A_164] {strides = array<i32>} : memref<64x64xf32, #tpu.memory_space<vmem>>, vector<1x16xf32>,
      %swap3A_166 = vector.shape_cast %swap3A_165 : vector<1x16xf32> to vector<16xf32>
      %swap3A_167 = vector.shape_cast %broadcast_in_dim3A_162 : vector<16xf32> to vector<1x16xf32>
      tpu.vector_store %arg18[%swap3A_163, %swap3A_164], %swap3A_167 {strides = array<i32>} : memref<64x64xf32, #tpu.memory_space<vmem>>, vector<1x16xf32>,
      %broadcast_in_dim3A_168 = arith.constant 0.000000e+00 : f32
      %broadcast_in_dim3A_169 = vector.broadcast %broadcast_in_dim3A_168 : f32 to vector<16xf32>
      %swap3A_170 = arith.index_cast %scan3A_148 : i32 to index
      %swap3A_171 = arith.constant 48 : index
      %swap3A_172 = tpu.vector_load %arg18[%swap3A_170, %swap3A_171] {strides = array<i32>} : memref<64x64xf32, #tpu.memory_space<vmem>>, vector<1x16xf32>,
      %swap3A_173 = vector.shape_cast %swap3A_172 : vector<1x16xf32> to vector<16xf32>
      %swap3A_174 = vector.shape_cast %broadcast_in_dim3A_169 : vector<16xf32> to vector<1x16xf32>
      tpu.vector_store %arg18[%swap3A_170, %swap3A_171], %swap3A_174 {strides = array<i32>} : memref<64x64xf32, #tpu.memory_space<vmem>>, vector<1x16xf32>,
    }
    %scan3A_49 = arith.constant 64 : i32
    %scan3A_50 = arith.constant 0 : i32
    %scan3A_51 = arith.constant 0 : i32
    %scan3A_52 = arith.constant 40 : i32
    %scan3A_53 = arith.addi %scan3A_51, %scan3A_52 : i32
    %scan3A_54 = arith.constant 1 : i32
    scf.for %scan3A_148 = %scan3A_51 to %scan3A_53 step %scan3A_54  : i32 {
      %broadcast_in_dim3A = arith.constant 0.000000e+00 : f32
      %broadcast_in_dim3A_149 = vector.broadcast %broadcast_in_dim3A : f32 to vector<16xf32>
      %mul3A_150 = arith.constant 16 : i32
      %mul3A_151 = arith.muli %scan3A_148, %mul3A_150 : i32
      %swap3A = arith.index_cast %mul3A_151 : i32 to index
      %swap3A_152 = tpu.vector_load %arg19[%swap3A] {strides = array<i32>} : memref<640xf32, #tpu.memory_space<vmem>>, vector<16xf32>,
      %swap3A_153 = vector.shape_cast %swap3A_152 : vector<16xf32> to vector<16xf32>
      %swap3A_154 = vector.shape_cast %broadcast_in_dim3A_149 : vector<16xf32> to vector<16xf32>
      tpu.vector_store %arg19[%swap3A], %swap3A_154 {strides = array<i32>} : memref<640xf32, #tpu.memory_space<vmem>>, vector<16xf32>,
    }
    %scan3A_55 = arith.constant 40 : i32
    %mul3A_56 = arith.constant 640 : i32
    %mul3A_57 = arith.muli %arg1, %mul3A_56 : i32
    %add3A_58 = arith.constant 0 : i32
    %add3A_59 = arith.addi %mul3A_57, %add3A_58 : i32
    "tpu.region"() ({
      %run_scoped3A = tpu.sem_alloc : memref<!tpu.dma_semaphore, #tpu.memory_space<semaphore_mem>>
      %dma_start3A_148 = arith.constant 0 : i32
      %dma_start3A_149 = tpu.memref_slice %arg20[%add3A_59, %dma_start3A_148] : memref<10240x64xf32, #tpu.memory_space<vmem_shared>> -> memref<64x64xf32, #tpu.memory_space<vmem_shared>>
      %dma_start3A_150 = arith.constant 0 : i32
      %dma_start3A_151 = tpu.memref_slice %arg20[%add3A_59, %dma_start3A_150] : memref<10240x64xf32, #tpu.memory_space<vmem_shared>> -> memref<64x64xf32, #tpu.memory_space<vmem_shared>>
      tpu.enqueue_dma source(%arg18 : memref<64x64xf32, #tpu.memory_space<vmem>>) target(%dma_start3A_151 : memref<64x64xf32, #tpu.memory_space<vmem_shared>>) target_semaphore(%run_scoped3A : memref<!tpu.dma_semaphore, #tpu.memory_space<semaphore_mem>>)
      %dma_wait3A_152 = arith.constant 0 : i32
      %dma_wait3A_153 = tpu.memref_slice %arg20[%add3A_59, %dma_wait3A_152] : memref<10240x64xf32, #tpu.memory_space<vmem_shared>> -> memref<64x64xf32, #tpu.memory_space<vmem_shared>>
      %dma_wait3A_154 = arith.constant 0 : i32
      %dma_wait3A_155 = tpu.memref_slice %arg20[%add3A_59, %dma_wait3A_154] : memref<10240x64xf32, #tpu.memory_space<vmem_shared>> -> memref<64x64xf32, #tpu.memory_space<vmem_shared>>
      tpu.wait_dma2 semaphore(%run_scoped3A : memref<!tpu.dma_semaphore, #tpu.memory_space<semaphore_mem>>) src(%arg18 : memref<64x64xf32, #tpu.memory_space<vmem>>) dst(%dma_wait3A_155 : memref<64x64xf32, #tpu.memory_space<vmem_shared>>)
      tpu.yield
    }) : () -> ()
    %mul3A_60 = arith.constant 640 : i32
    %mul3A_61 = arith.muli %arg1, %mul3A_60 : i32
    %add3A_62 = arith.constant 64 : i32
    %add3A_63 = arith.addi %mul3A_61, %add3A_62 : i32
    "tpu.region"() ({
      %run_scoped3A = tpu.sem_alloc : memref<!tpu.dma_semaphore, #tpu.memory_space<semaphore_mem>>
      %dma_start3A_148 = arith.constant 0 : i32
      %dma_start3A_149 = tpu.memref_slice %arg20[%add3A_63, %dma_start3A_148] : memref<10240x64xf32, #tpu.memory_space<vmem_shared>> -> memref<64x64xf32, #tpu.memory_space<vmem_shared>>
      %dma_start3A_150 = arith.constant 0 : i32
      %dma_start3A_151 = tpu.memref_slice %arg20[%add3A_63, %dma_start3A_150] : memref<10240x64xf32, #tpu.memory_space<vmem_shared>> -> memref<64x64xf32, #tpu.memory_space<vmem_shared>>
      tpu.enqueue_dma source(%arg18 : memref<64x64xf32, #tpu.memory_space<vmem>>) target(%dma_start3A_151 : memref<64x64xf32, #tpu.memory_space<vmem_shared>>) target_semaphore(%run_scoped3A : memref<!tpu.dma_semaphore, #tpu.memory_space<semaphore_mem>>)
      %dma_wait3A_152 = arith.constant 0 : i32
      %dma_wait3A_153 = tpu.memref_slice %arg20[%add3A_63, %dma_wait3A_152] : memref<10240x64xf32, #tpu.memory_space<vmem_shared>> -> memref<64x64xf32, #tpu.memory_space<vmem_shared>>
      %dma_wait3A_154 = arith.constant 0 : i32
      %dma_wait3A_155 = tpu.memref_slice %arg20[%add3A_63, %dma_wait3A_154] : memref<10240x64xf32, #tpu.memory_space<vmem_shared>> -> memref<64x64xf32, #tpu.memory_space<vmem_shared>>
      tpu.wait_dma2 semaphore(%run_scoped3A : memref<!tpu.dma_semaphore, #tpu.memory_space<semaphore_mem>>) src(%arg18 : memref<64x64xf32, #tpu.memory_space<vmem>>) dst(%dma_wait3A_155 : memref<64x64xf32, #tpu.memory_space<vmem_shared>>)
      tpu.yield
    }) : () -> ()
    %mul3A_64 = arith.constant 640 : i32
    %mul3A_65 = arith.muli %arg1, %mul3A_64 : i32
    %add3A_66 = arith.constant 128 : i32
    %add3A_67 = arith.addi %mul3A_65, %add3A_66 : i32
    "tpu.region"() ({
      %run_scoped3A = tpu.sem_alloc : memref<!tpu.dma_semaphore, #tpu.memory_space<semaphore_mem>>
      %dma_start3A_148 = arith.constant 0 : i32
      %dma_start3A_149 = tpu.memref_slice %arg20[%add3A_67, %dma_start3A_148] : memref<10240x64xf32, #tpu.memory_space<vmem_shared>> -> memref<64x64xf32, #tpu.memory_space<vmem_shared>>
      %dma_start3A_150 = arith.constant 0 : i32
      %dma_start3A_151 = tpu.memref_slice %arg20[%add3A_67, %dma_start3A_150] : memref<10240x64xf32, #tpu.memory_space<vmem_shared>> -> memref<64x64xf32, #tpu.memory_space<vmem_shared>>
      tpu.enqueue_dma source(%arg18 : memref<64x64xf32, #tpu.memory_space<vmem>>) target(%dma_start3A_151 : memref<64x64xf32, #tpu.memory_space<vmem_shared>>) target_semaphore(%run_scoped3A : memref<!tpu.dma_semaphore, #tpu.memory_space<semaphore_mem>>)
      %dma_wait3A_152 = arith.constant 0 : i32
      %dma_wait3A_153 = tpu.memref_slice %arg20[%add3A_67, %dma_wait3A_152] : memref<10240x64xf32, #tpu.memory_space<vmem_shared>> -> memref<64x64xf32, #tpu.memory_space<vmem_shared>>
      %dma_wait3A_154 = arith.constant 0 : i32
      %dma_wait3A_155 = tpu.memref_slice %arg20[%add3A_67, %dma_wait3A_154] : memref<10240x64xf32, #tpu.memory_space<vmem_shared>> -> memref<64x64xf32, #tpu.memory_space<vmem_shared>>
      tpu.wait_dma2 semaphore(%run_scoped3A : memref<!tpu.dma_semaphore, #tpu.memory_space<semaphore_mem>>) src(%arg18 : memref<64x64xf32, #tpu.memory_space<vmem>>) dst(%dma_wait3A_155 : memref<64x64xf32, #tpu.memory_space<vmem_shared>>)
      tpu.yield
    }) : () -> ()
    %mul3A_68 = arith.constant 640 : i32
    %mul3A_69 = arith.muli %arg1, %mul3A_68 : i32
    %add3A_70 = arith.constant 192 : i32
    %add3A_71 = arith.addi %mul3A_69, %add3A_70 : i32
    "tpu.region"() ({
      %run_scoped3A = tpu.sem_alloc : memref<!tpu.dma_semaphore, #tpu.memory_space<semaphore_mem>>
      %dma_start3A_148 = arith.constant 0 : i32
      %dma_start3A_149 = tpu.memref_slice %arg20[%add3A_71, %dma_start3A_148] : memref<10240x64xf32, #tpu.memory_space<vmem_shared>> -> memref<64x64xf32, #tpu.memory_space<vmem_shared>>
      %dma_start3A_150 = arith.constant 0 : i32
      %dma_start3A_151 = tpu.memref_slice %arg20[%add3A_71, %dma_start3A_150] : memref<10240x64xf32, #tpu.memory_space<vmem_shared>> -> memref<64x64xf32, #tpu.memory_space<vmem_shared>>
      tpu.enqueue_dma source(%arg18 : memref<64x64xf32, #tpu.memory_space<vmem>>) target(%dma_start3A_151 : memref<64x64xf32, #tpu.memory_space<vmem_shared>>) target_semaphore(%run_scoped3A : memref<!tpu.dma_semaphore, #tpu.memory_space<semaphore_mem>>)
      %dma_wait3A_152 = arith.constant 0 : i32
      %dma_wait3A_153 = tpu.memref_slice %arg20[%add3A_71, %dma_wait3A_152] : memref<10240x64xf32, #tpu.memory_space<vmem_shared>> -> memref<64x64xf32, #tpu.memory_space<vmem_shared>>
      %dma_wait3A_154 = arith.constant 0 : i32
      %dma_wait3A_155 = tpu.memref_slice %arg20[%add3A_71, %dma_wait3A_154] : memref<10240x64xf32, #tpu.memory_space<vmem_shared>> -> memref<64x64xf32, #tpu.memory_space<vmem_shared>>
      tpu.wait_dma2 semaphore(%run_scoped3A : memref<!tpu.dma_semaphore, #tpu.memory_space<semaphore_mem>>) src(%arg18 : memref<64x64xf32, #tpu.memory_space<vmem>>) dst(%dma_wait3A_155 : memref<64x64xf32, #tpu.memory_space<vmem_shared>>)
      tpu.yield
    }) : () -> ()
    %mul3A_72 = arith.constant 640 : i32
    %mul3A_73 = arith.muli %arg1, %mul3A_72 : i32
    %add3A_74 = arith.constant 256 : i32
    %add3A_75 = arith.addi %mul3A_73, %add3A_74 : i32
    "tpu.region"() ({
      %run_scoped3A = tpu.sem_alloc : memref<!tpu.dma_semaphore, #tpu.memory_space<semaphore_mem>>
      %dma_start3A_148 = arith.constant 0 : i32
      %dma_start3A_149 = tpu.memref_slice %arg20[%add3A_75, %dma_start3A_148] : memref<10240x64xf32, #tpu.memory_space<vmem_shared>> -> memref<64x64xf32, #tpu.memory_space<vmem_shared>>
      %dma_start3A_150 = arith.constant 0 : i32
      %dma_start3A_151 = tpu.memref_slice %arg20[%add3A_75, %dma_start3A_150] : memref<10240x64xf32, #tpu.memory_space<vmem_shared>> -> memref<64x64xf32, #tpu.memory_space<vmem_shared>>
      tpu.enqueue_dma source(%arg18 : memref<64x64xf32, #tpu.memory_space<vmem>>) target(%dma_start3A_151 : memref<64x64xf32, #tpu.memory_space<vmem_shared>>) target_semaphore(%run_scoped3A : memref<!tpu.dma_semaphore, #tpu.memory_space<semaphore_mem>>)
      %dma_wait3A_152 = arith.constant 0 : i32
      %dma_wait3A_153 = tpu.memref_slice %arg20[%add3A_75, %dma_wait3A_152] : memref<10240x64xf32, #tpu.memory_space<vmem_shared>> -> memref<64x64xf32, #tpu.memory_space<vmem_shared>>
      %dma_wait3A_154 = arith.constant 0 : i32
      %dma_wait3A_155 = tpu.memref_slice %arg20[%add3A_75, %dma_wait3A_154] : memref<10240x64xf32, #tpu.memory_space<vmem_shared>> -> memref<64x64xf32, #tpu.memory_space<vmem_shared>>
      tpu.wait_dma2 semaphore(%run_scoped3A : memref<!tpu.dma_semaphore, #tpu.memory_space<semaphore_mem>>) src(%arg18 : memref<64x64xf32, #tpu.memory_space<vmem>>) dst(%dma_wait3A_155 : memref<64x64xf32, #tpu.memory_space<vmem_shared>>)
      tpu.yield
    }) : () -> ()
    %mul3A_76 = arith.constant 640 : i32
    %mul3A_77 = arith.muli %arg1, %mul3A_76 : i32
    %add3A_78 = arith.constant 320 : i32
    %add3A_79 = arith.addi %mul3A_77, %add3A_78 : i32
    "tpu.region"() ({
      %run_scoped3A = tpu.sem_alloc : memref<!tpu.dma_semaphore, #tpu.memory_space<semaphore_mem>>
      %dma_start3A_148 = arith.constant 0 : i32
      %dma_start3A_149 = tpu.memref_slice %arg20[%add3A_79, %dma_start3A_148] : memref<10240x64xf32, #tpu.memory_space<vmem_shared>> -> memref<64x64xf32, #tpu.memory_space<vmem_shared>>
      %dma_start3A_150 = arith.constant 0 : i32
      %dma_start3A_151 = tpu.memref_slice %arg20[%add3A_79, %dma_start3A_150] : memref<10240x64xf32, #tpu.memory_space<vmem_shared>> -> memref<64x64xf32, #tpu.memory_space<vmem_shared>>
      tpu.enqueue_dma source(%arg18 : memref<64x64xf32, #tpu.memory_space<vmem>>) target(%dma_start3A_151 : memref<64x64xf32, #tpu.memory_space<vmem_shared>>) target_semaphore(%run_scoped3A : memref<!tpu.dma_semaphore, #tpu.memory_space<semaphore_mem>>)
      %dma_wait3A_152 = arith.constant 0 : i32
      %dma_wait3A_153 = tpu.memref_slice %arg20[%add3A_79, %dma_wait3A_152] : memref<10240x64xf32, #tpu.memory_space<vmem_shared>> -> memref<64x64xf32, #tpu.memory_space<vmem_shared>>
      %dma_wait3A_154 = arith.constant 0 : i32
      %dma_wait3A_155 = tpu.memref_slice %arg20[%add3A_79, %dma_wait3A_154] : memref<10240x64xf32, #tpu.memory_space<vmem_shared>> -> memref<64x64xf32, #tpu.memory_space<vmem_shared>>
      tpu.wait_dma2 semaphore(%run_scoped3A : memref<!tpu.dma_semaphore, #tpu.memory_space<semaphore_mem>>) src(%arg18 : memref<64x64xf32, #tpu.memory_space<vmem>>) dst(%dma_wait3A_155 : memref<64x64xf32, #tpu.memory_space<vmem_shared>>)
      tpu.yield
    }) : () -> ()
    %mul3A_80 = arith.constant 640 : i32
    %mul3A_81 = arith.muli %arg1, %mul3A_80 : i32
    %add3A_82 = arith.constant 384 : i32
    %add3A_83 = arith.addi %mul3A_81, %add3A_82 : i32
    "tpu.region"() ({
      %run_scoped3A = tpu.sem_alloc : memref<!tpu.dma_semaphore, #tpu.memory_space<semaphore_mem>>
      %dma_start3A_148 = arith.constant 0 : i32
      %dma_start3A_149 = tpu.memref_slice %arg20[%add3A_83, %dma_start3A_148] : memref<10240x64xf32, #tpu.memory_space<vmem_shared>> -> memref<64x64xf32, #tpu.memory_space<vmem_shared>>
      %dma_start3A_150 = arith.constant 0 : i32
      %dma_start3A_151 = tpu.memref_slice %arg20[%add3A_83, %dma_start3A_150] : memref<10240x64xf32, #tpu.memory_space<vmem_shared>> -> memref<64x64xf32, #tpu.memory_space<vmem_shared>>
      tpu.enqueue_dma source(%arg18 : memref<64x64xf32, #tpu.memory_space<vmem>>) target(%dma_start3A_151 : memref<64x64xf32, #tpu.memory_space<vmem_shared>>) target_semaphore(%run_scoped3A : memref<!tpu.dma_semaphore, #tpu.memory_space<semaphore_mem>>)
      %dma_wait3A_152 = arith.constant 0 : i32
      %dma_wait3A_153 = tpu.memref_slice %arg20[%add3A_83, %dma_wait3A_152] : memref<10240x64xf32, #tpu.memory_space<vmem_shared>> -> memref<64x64xf32, #tpu.memory_space<vmem_shared>>
      %dma_wait3A_154 = arith.constant 0 : i32
      %dma_wait3A_155 = tpu.memref_slice %arg20[%add3A_83, %dma_wait3A_154] : memref<10240x64xf32, #tpu.memory_space<vmem_shared>> -> memref<64x64xf32, #tpu.memory_space<vmem_shared>>
      tpu.wait_dma2 semaphore(%run_scoped3A : memref<!tpu.dma_semaphore, #tpu.memory_space<semaphore_mem>>) src(%arg18 : memref<64x64xf32, #tpu.memory_space<vmem>>) dst(%dma_wait3A_155 : memref<64x64xf32, #tpu.memory_space<vmem_shared>>)
      tpu.yield
    }) : () -> ()
    %mul3A_84 = arith.constant 640 : i32
    %mul3A_85 = arith.muli %arg1, %mul3A_84 : i32
    %add3A_86 = arith.constant 448 : i32
    %add3A_87 = arith.addi %mul3A_85, %add3A_86 : i32
    "tpu.region"() ({
      %run_scoped3A = tpu.sem_alloc : memref<!tpu.dma_semaphore, #tpu.memory_space<semaphore_mem>>
      %dma_start3A_148 = arith.constant 0 : i32
      %dma_start3A_149 = tpu.memref_slice %arg20[%add3A_87, %dma_start3A_148] : memref<10240x64xf32, #tpu.memory_space<vmem_shared>> -> memref<64x64xf32, #tpu.memory_space<vmem_shared>>
      %dma_start3A_150 = arith.constant 0 : i32
      %dma_start3A_151 = tpu.memref_slice %arg20[%add3A_87, %dma_start3A_150] : memref<10240x64xf32, #tpu.memory_space<vmem_shared>> -> memref<64x64xf32, #tpu.memory_space<vmem_shared>>
      tpu.enqueue_dma source(%arg18 : memref<64x64xf32, #tpu.memory_space<vmem>>) target(%dma_start3A_151 : memref<64x64xf32, #tpu.memory_space<vmem_shared>>) target_semaphore(%run_scoped3A : memref<!tpu.dma_semaphore, #tpu.memory_space<semaphore_mem>>)
      %dma_wait3A_152 = arith.constant 0 : i32
      %dma_wait3A_153 = tpu.memref_slice %arg20[%add3A_87, %dma_wait3A_152] : memref<10240x64xf32, #tpu.memory_space<vmem_shared>> -> memref<64x64xf32, #tpu.memory_space<vmem_shared>>
      %dma_wait3A_154 = arith.constant 0 : i32
      %dma_wait3A_155 = tpu.memref_slice %arg20[%add3A_87, %dma_wait3A_154] : memref<10240x64xf32, #tpu.memory_space<vmem_shared>> -> memref<64x64xf32, #tpu.memory_space<vmem_shared>>
      tpu.wait_dma2 semaphore(%run_scoped3A : memref<!tpu.dma_semaphore, #tpu.memory_space<semaphore_mem>>) src(%arg18 : memref<64x64xf32, #tpu.memory_space<vmem>>) dst(%dma_wait3A_155 : memref<64x64xf32, #tpu.memory_space<vmem_shared>>)
      tpu.yield
    }) : () -> ()
    %mul3A_88 = arith.constant 640 : i32
    %mul3A_89 = arith.muli %arg1, %mul3A_88 : i32
    %add3A_90 = arith.constant 512 : i32
    %add3A_91 = arith.addi %mul3A_89, %add3A_90 : i32
    "tpu.region"() ({
      %run_scoped3A = tpu.sem_alloc : memref<!tpu.dma_semaphore, #tpu.memory_space<semaphore_mem>>
      %dma_start3A_148 = arith.constant 0 : i32
      %dma_start3A_149 = tpu.memref_slice %arg20[%add3A_91, %dma_start3A_148] : memref<10240x64xf32, #tpu.memory_space<vmem_shared>> -> memref<64x64xf32, #tpu.memory_space<vmem_shared>>
      %dma_start3A_150 = arith.constant 0 : i32
      %dma_start3A_151 = tpu.memref_slice %arg20[%add3A_91, %dma_start3A_150] : memref<10240x64xf32, #tpu.memory_space<vmem_shared>> -> memref<64x64xf32, #tpu.memory_space<vmem_shared>>
      tpu.enqueue_dma source(%arg18 : memref<64x64xf32, #tpu.memory_space<vmem>>) target(%dma_start3A_151 : memref<64x64xf32, #tpu.memory_space<vmem_shared>>) target_semaphore(%run_scoped3A : memref<!tpu.dma_semaphore, #tpu.memory_space<semaphore_mem>>)
      %dma_wait3A_152 = arith.constant 0 : i32
      %dma_wait3A_153 = tpu.memref_slice %arg20[%add3A_91, %dma_wait3A_152] : memref<10240x64xf32, #tpu.memory_space<vmem_shared>> -> memref<64x64xf32, #tpu.memory_space<vmem_shared>>
      %dma_wait3A_154 = arith.constant 0 : i32
      %dma_wait3A_155 = tpu.memref_slice %arg20[%add3A_91, %dma_wait3A_154] : memref<10240x64xf32, #tpu.memory_space<vmem_shared>> -> memref<64x64xf32, #tpu.memory_space<vmem_shared>>
      tpu.wait_dma2 semaphore(%run_scoped3A : memref<!tpu.dma_semaphore, #tpu.memory_space<semaphore_mem>>) src(%arg18 : memref<64x64xf32, #tpu.memory_space<vmem>>) dst(%dma_wait3A_155 : memref<64x64xf32, #tpu.memory_space<vmem_shared>>)
      tpu.yield
    }) : () -> ()
    %mul3A_92 = arith.constant 640 : i32
    %mul3A_93 = arith.muli %arg1, %mul3A_92 : i32
    %add3A_94 = arith.constant 576 : i32
    %add3A_95 = arith.addi %mul3A_93, %add3A_94 : i32
    "tpu.region"() ({
      %run_scoped3A = tpu.sem_alloc : memref<!tpu.dma_semaphore, #tpu.memory_space<semaphore_mem>>
      %dma_start3A_148 = arith.constant 0 : i32
      %dma_start3A_149 = tpu.memref_slice %arg20[%add3A_95, %dma_start3A_148] : memref<10240x64xf32, #tpu.memory_space<vmem_shared>> -> memref<64x64xf32, #tpu.memory_space<vmem_shared>>
      %dma_start3A_150 = arith.constant 0 : i32
      %dma_start3A_151 = tpu.memref_slice %arg20[%add3A_95, %dma_start3A_150] : memref<10240x64xf32, #tpu.memory_space<vmem_shared>> -> memref<64x64xf32, #tpu.memory_space<vmem_shared>>
      tpu.enqueue_dma source(%arg18 : memref<64x64xf32, #tpu.memory_space<vmem>>) target(%dma_start3A_151 : memref<64x64xf32, #tpu.memory_space<vmem_shared>>) target_semaphore(%run_scoped3A : memref<!tpu.dma_semaphore, #tpu.memory_space<semaphore_mem>>)
      %dma_wait3A_152 = arith.constant 0 : i32
      %dma_wait3A_153 = tpu.memref_slice %arg20[%add3A_95, %dma_wait3A_152] : memref<10240x64xf32, #tpu.memory_space<vmem_shared>> -> memref<64x64xf32, #tpu.memory_space<vmem_shared>>
      %dma_wait3A_154 = arith.constant 0 : i32
      %dma_wait3A_155 = tpu.memref_slice %arg20[%add3A_95, %dma_wait3A_154] : memref<10240x64xf32, #tpu.memory_space<vmem_shared>> -> memref<64x64xf32, #tpu.memory_space<vmem_shared>>
      tpu.wait_dma2 semaphore(%run_scoped3A : memref<!tpu.dma_semaphore, #tpu.memory_space<semaphore_mem>>) src(%arg18 : memref<64x64xf32, #tpu.memory_space<vmem>>) dst(%dma_wait3A_155 : memref<64x64xf32, #tpu.memory_space<vmem_shared>>)
      tpu.yield
    }) : () -> ()
    %mul3A_96 = arith.constant 640 : i32
    %mul3A_97 = arith.muli %arg1, %mul3A_96 : i32
    "tpu.region"() ({
      %run_scoped3A = tpu.sem_alloc : memref<!tpu.dma_semaphore, #tpu.memory_space<semaphore_mem>>
      %dma_start3A_148 = tpu.memref_slice %arg21[%mul3A_97] : memref<10240xf32, #tpu.memory_space<vmem_shared>> -> memref<640xf32, #tpu.memory_space<vmem_shared>>
      %dma_start3A_149 = tpu.memref_slice %arg21[%mul3A_97] : memref<10240xf32, #tpu.memory_space<vmem_shared>> -> memref<640xf32, #tpu.memory_space<vmem_shared>>
      tpu.enqueue_dma source(%arg19 : memref<640xf32, #tpu.memory_space<vmem>>) target(%dma_start3A_149 : memref<640xf32, #tpu.memory_space<vmem_shared>>) target_semaphore(%run_scoped3A : memref<!tpu.dma_semaphore, #tpu.memory_space<semaphore_mem>>)
      %dma_wait3A_150 = tpu.memref_slice %arg21[%mul3A_97] : memref<10240xf32, #tpu.memory_space<vmem_shared>> -> memref<640xf32, #tpu.memory_space<vmem_shared>>
      %dma_wait3A_151 = tpu.memref_slice %arg21[%mul3A_97] : memref<10240xf32, #tpu.memory_space<vmem_shared>> -> memref<640xf32, #tpu.memory_space<vmem_shared>>
      tpu.wait_dma2 semaphore(%run_scoped3A : memref<!tpu.dma_semaphore, #tpu.memory_space<semaphore_mem>>) src(%arg19 : memref<640xf32, #tpu.memory_space<vmem>>) dst(%dma_wait3A_151 : memref<640xf32, #tpu.memory_space<vmem_shared>>)
      tpu.yield
    }) : () -> ()
    %barrier3A = arith.constant 0 : index
    tpu.barrier barrier_id(%barrier3A)
    %scan3A_98 = arith.constant 0 : i32
    %scan3A_99 = arith.constant 0 : i32
    %scan3A_100 = arith.constant 40 : i32
    %scan3A_101 = arith.addi %scan3A_99, %scan3A_100 : i32
    %scan3A_102 = arith.constant 1 : i32
    scf.for %scan3A_148 = %scan3A_99 to %scan3A_101 step %scan3A_102  : i32 {
      %mul3A_149 = arith.constant 4 : i32
      %mul3A_150 = arith.muli %scan3A_148, %mul3A_149 : i32
      %add3A_151 = arith.constant 0 : i32
      %add3A_152 = arith.addi %mul3A_150, %add3A_151 : i32
      %add3A_153 = arith.constant 4 : i32
      %add3A_154 = arith.addi %add3A_152, %add3A_153 : i32
      %min3A = arith.constant 159 : i32
      %min3A_155 = arith.minsi %add3A_154, %min3A : i32
      %dma_wait3A_156 = arith.constant 0 : i32
      %dma_wait3A_157 = tpu.memref_slice %arg9[%add3A_152, %dma_wait3A_156] : memref<160x125xi32, #tpu.memory_space<vmem>> -> memref<1x125xi32, #tpu.memory_space<vmem>>
      %dma_wait3A_158 = tpu.memref_squeeze %dma_wait3A_157 : memref<1x125xi32, #tpu.memory_space<vmem>> -> memref<125xi32, #tpu.memory_space<vmem>>
      %dma_wait3A_159 = arith.constant 0 : i32
      %dma_wait3A_160 = arith.constant 0 : i32
      %dma_wait3A_161 = tpu.memref_slice %arg2[%dma_wait3A_159, %dma_wait3A_160] : memref<20000x64xf32, #tpu.memory_space<hbm>> -> memref<20000x64xf32, #tpu.memory_space<hbm>>
      tpu.wait_indirect_dma semaphore(%arg22 : memref<!tpu.dma_semaphore, #tpu.memory_space<semaphore_mem>>) src(%dma_wait3A_161 : memref<20000x64xf32, #tpu.memory_space<hbm>>) dst(%arg12 : memref<125x64xf32, #tpu.memory_space<vmem>>)
      "tpu.region"() ({
        %run_scoped3A = tpu.sem_alloc : memref<!tpu.dma_semaphore, #tpu.memory_space<semaphore_mem>>
        %dma_start3A_276 = arith.constant 0 : i32
        %dma_start3A_277 = tpu.memref_slice %arg11[%add3A_152, %dma_start3A_276] : memref<160x125xi32, #tpu.memory_space<vmem>> -> memref<1x125xi32, #tpu.memory_space<vmem>>
        %dma_start3A_278 = tpu.memref_squeeze %dma_start3A_277 : memref<1x125xi32, #tpu.memory_space<vmem>> -> memref<125xi32, #tpu.memory_space<vmem>>
        %dma_start3A_279 = arith.constant 0 : i32
        %dma_start3A_280 = arith.constant 0 : i32
        %dma_start3A_281 = tpu.memref_slice %arg20[%dma_start3A_279, %dma_start3A_280] : memref<10240x64xf32, #tpu.memory_space<vmem_shared>> -> memref<10240x64xf32, #tpu.memory_space<vmem_shared>>
        tpu.enqueue_indirect_dma source(%arg12 : memref<125x64xf32, #tpu.memory_space<vmem>>) target(%dma_start3A_281 : memref<10240x64xf32, #tpu.memory_space<vmem_shared>>) offsets(%dma_start3A_278 : memref<125xi32, #tpu.memory_space<vmem>>) semaphore(%run_scoped3A : memref<!tpu.dma_semaphore, #tpu.memory_space<semaphore_mem>>) {add = true}
        %dma_wait3A_282 = arith.constant 0 : i32
        %dma_wait3A_283 = tpu.memref_slice %arg11[%add3A_152, %dma_wait3A_282] : memref<160x125xi32, #tpu.memory_space<vmem>> -> memref<1x125xi32, #tpu.memory_space<vmem>>
        %dma_wait3A_284 = tpu.memref_squeeze %dma_wait3A_283 : memref<1x125xi32, #tpu.memory_space<vmem>> -> memref<125xi32, #tpu.memory_space<vmem>>
        %dma_wait3A_285 = arith.constant 0 : i32
        %dma_wait3A_286 = arith.constant 0 : i32
        %dma_wait3A_287 = tpu.memref_slice %arg20[%dma_wait3A_285, %dma_wait3A_286] : memref<10240x64xf32, #tpu.memory_space<vmem_shared>> -> memref<10240x64xf32, #tpu.memory_space<vmem_shared>>
        tpu.wait_indirect_dma semaphore(%run_scoped3A : memref<!tpu.dma_semaphore, #tpu.memory_space<semaphore_mem>>) src(%arg12 : memref<125x64xf32, #tpu.memory_space<vmem>>) dst(%dma_wait3A_287 : memref<10240x64xf32, #tpu.memory_space<vmem_shared>>)
        tpu.yield
      }) : () -> ()
      %dma_start3A_162 = arith.constant 0 : i32
      %dma_start3A_163 = tpu.memref_slice %arg9[%min3A_155, %dma_start3A_162] : memref<160x125xi32, #tpu.memory_space<vmem>> -> memref<1x125xi32, #tpu.memory_space<vmem>>
      %dma_start3A_164 = tpu.memref_squeeze %dma_start3A_163 : memref<1x125xi32, #tpu.memory_space<vmem>> -> memref<125xi32, #tpu.memory_space<vmem>>
      %dma_start3A_165 = arith.constant 0 : i32
      %dma_start3A_166 = arith.constant 0 : i32
      %dma_start3A_167 = tpu.memref_slice %arg2[%dma_start3A_165, %dma_start3A_166] : memref<20000x64xf32, #tpu.memory_space<hbm>> -> memref<20000x64xf32, #tpu.memory_space<hbm>>
      tpu.enqueue_indirect_dma source(%dma_start3A_167 : memref<20000x64xf32, #tpu.memory_space<hbm>>) target(%arg12 : memref<125x64xf32, #tpu.memory_space<vmem>>) offsets(%dma_start3A_164 : memref<125xi32, #tpu.memory_space<vmem>>) semaphore(%arg22 : memref<!tpu.dma_semaphore, #tpu.memory_space<semaphore_mem>>)
      %mul3A_168 = arith.constant 4 : i32
      %mul3A_169 = arith.muli %scan3A_148, %mul3A_168 : i32
      %add3A_170 = arith.constant 1 : i32
      %add3A_171 = arith.addi %mul3A_169, %add3A_170 : i32
      %add3A_172 = arith.constant 4 : i32
      %add3A_173 = arith.addi %add3A_171, %add3A_172 : i32
      %min3A_174 = arith.constant 159 : i32
      %min3A_175 = arith.minsi %add3A_173, %min3A_174 : i32
      %dma_wait3A_176 = arith.constant 0 : i32
      %dma_wait3A_177 = tpu.memref_slice %arg9[%add3A_171, %dma_wait3A_176] : memref<160x125xi32, #tpu.memory_space<vmem>> -> memref<1x125xi32, #tpu.memory_space<vmem>>
      %dma_wait3A_178 = tpu.memref_squeeze %dma_wait3A_177 : memref<1x125xi32, #tpu.memory_space<vmem>> -> memref<125xi32, #tpu.memory_space<vmem>>
      %dma_wait3A_179 = arith.constant 0 : i32
      %dma_wait3A_180 = arith.constant 0 : i32
      %dma_wait3A_181 = tpu.memref_slice %arg2[%dma_wait3A_179, %dma_wait3A_180] : memref<20000x64xf32, #tpu.memory_space<hbm>> -> memref<20000x64xf32, #tpu.memory_space<hbm>>
      tpu.wait_indirect_dma semaphore(%arg23 : memref<!tpu.dma_semaphore, #tpu.memory_space<semaphore_mem>>) src(%dma_wait3A_181 : memref<20000x64xf32, #tpu.memory_space<hbm>>) dst(%arg13 : memref<125x64xf32, #tpu.memory_space<vmem>>)
      "tpu.region"() ({
        %run_scoped3A = tpu.sem_alloc : memref<!tpu.dma_semaphore, #tpu.memory_space<semaphore_mem>>
        %dma_start3A_276 = arith.constant 0 : i32
        %dma_start3A_277 = tpu.memref_slice %arg11[%add3A_171, %dma_start3A_276] : memref<160x125xi32, #tpu.memory_space<vmem>> -> memref<1x125xi32, #tpu.memory_space<vmem>>
        %dma_start3A_278 = tpu.memref_squeeze %dma_start3A_277 : memref<1x125xi32, #tpu.memory_space<vmem>> -> memref<125xi32, #tpu.memory_space<vmem>>
        %dma_start3A_279 = arith.constant 0 : i32
        %dma_start3A_280 = arith.constant 0 : i32
        %dma_start3A_281 = tpu.memref_slice %arg20[%dma_start3A_279, %dma_start3A_280] : memref<10240x64xf32, #tpu.memory_space<vmem_shared>> -> memref<10240x64xf32, #tpu.memory_space<vmem_shared>>
        tpu.enqueue_indirect_dma source(%arg13 : memref<125x64xf32, #tpu.memory_space<vmem>>) target(%dma_start3A_281 : memref<10240x64xf32, #tpu.memory_space<vmem_shared>>) offsets(%dma_start3A_278 : memref<125xi32, #tpu.memory_space<vmem>>) semaphore(%run_scoped3A : memref<!tpu.dma_semaphore, #tpu.memory_space<semaphore_mem>>) {add = true}
        %dma_wait3A_282 = arith.constant 0 : i32
        %dma_wait3A_283 = tpu.memref_slice %arg11[%add3A_171, %dma_wait3A_282] : memref<160x125xi32, #tpu.memory_space<vmem>> -> memref<1x125xi32, #tpu.memory_space<vmem>>
        %dma_wait3A_284 = tpu.memref_squeeze %dma_wait3A_283 : memref<1x125xi32, #tpu.memory_space<vmem>> -> memref<125xi32, #tpu.memory_space<vmem>>
        %dma_wait3A_285 = arith.constant 0 : i32
        %dma_wait3A_286 = arith.constant 0 : i32
        %dma_wait3A_287 = tpu.memref_slice %arg20[%dma_wait3A_285, %dma_wait3A_286] : memref<10240x64xf32, #tpu.memory_space<vmem_shared>> -> memref<10240x64xf32, #tpu.memory_space<vmem_shared>>
        tpu.wait_indirect_dma semaphore(%run_scoped3A : memref<!tpu.dma_semaphore, #tpu.memory_space<semaphore_mem>>) src(%arg13 : memref<125x64xf32, #tpu.memory_space<vmem>>) dst(%dma_wait3A_287 : memref<10240x64xf32, #tpu.memory_space<vmem_shared>>)
        tpu.yield
      }) : () -> ()
      %dma_start3A_182 = arith.constant 0 : i32
      %dma_start3A_183 = tpu.memref_slice %arg9[%min3A_175, %dma_start3A_182] : memref<160x125xi32, #tpu.memory_space<vmem>> -> memref<1x125xi32, #tpu.memory_space<vmem>>
      %dma_start3A_184 = tpu.memref_squeeze %dma_start3A_183 : memref<1x125xi32, #tpu.memory_space<vmem>> -> memref<125xi32, #tpu.memory_space<vmem>>
      %dma_start3A_185 = arith.constant 0 : i32
      %dma_start3A_186 = arith.constant 0 : i32
      %dma_start3A_187 = tpu.memref_slice %arg2[%dma_start3A_185, %dma_start3A_186] : memref<20000x64xf32, #tpu.memory_space<hbm>> -> memref<20000x64xf32, #tpu.memory_space<hbm>>
      tpu.enqueue_indirect_dma source(%dma_start3A_187 : memref<20000x64xf32, #tpu.memory_space<hbm>>) target(%arg13 : memref<125x64xf32, #tpu.memory_space<vmem>>) offsets(%dma_start3A_184 : memref<125xi32, #tpu.memory_space<vmem>>) semaphore(%arg23 : memref<!tpu.dma_semaphore, #tpu.memory_space<semaphore_mem>>)
      %mul3A_188 = arith.constant 2 : i32
      %mul3A_189 = arith.muli %scan3A_148, %mul3A_188 : i32
      %add3A_190 = arith.constant 0 : i32
      %add3A_191 = arith.addi %mul3A_189, %add3A_190 : i32
      %mul3A_192 = arith.constant 80 : i32
      %mul3A_193 = arith.muli %arg0, %mul3A_192 : i32
      %add3A_194 = arith.addi %mul3A_193, %add3A_191 : i32
      %add3A_195 = arith.constant 2 : i32
      %add3A_196 = arith.addi %add3A_194, %add3A_195 : i32
      %min3A_197 = arith.constant 159 : i32
      %min3A_198 = arith.minsi %add3A_196, %min3A_197 : i32
      %mul3A_199 = arith.constant 80 : i32
      %mul3A_200 = arith.muli %arg0, %mul3A_199 : i32
      %add3A_201 = arith.addi %mul3A_200, %add3A_191 : i32
      %dma_wait3A_202 = arith.constant 0 : i32
      %dma_wait3A_203 = tpu.memref_slice %arg11[%add3A_201, %dma_wait3A_202] : memref<160x125xi32, #tpu.memory_space<vmem>> -> memref<1x125xi32, #tpu.memory_space<vmem>>
      %dma_wait3A_204 = tpu.memref_squeeze %dma_wait3A_203 : memref<1x125xi32, #tpu.memory_space<vmem>> -> memref<125xi32, #tpu.memory_space<vmem>>
      %dma_wait3A_205 = arith.constant 0 : i32
      %dma_wait3A_206 = tpu.memref_slice %arg3[%dma_wait3A_205] : memref<10240xf32, #tpu.memory_space<hbm>> -> memref<10240xf32, #tpu.memory_space<hbm>>
      tpu.wait_indirect_dma semaphore(%arg26 : memref<!tpu.dma_semaphore, #tpu.memory_space<semaphore_mem>>) src(%dma_wait3A_206 : memref<10240xf32, #tpu.memory_space<hbm>>) dst(%arg16 : memref<125xf32, #tpu.memory_space<vmem>>)
      "tpu.region"() ({
        %run_scoped3A = tpu.sem_alloc : memref<!tpu.dma_semaphore, #tpu.memory_space<semaphore_mem>>
        %dma_start3A_276 = arith.constant 0 : i32
        %dma_start3A_277 = tpu.memref_slice %arg10[%add3A_191, %dma_start3A_276] : memref<80x125xi32, #tpu.memory_space<vmem>> -> memref<1x125xi32, #tpu.memory_space<vmem>>
        %dma_start3A_278 = tpu.memref_squeeze %dma_start3A_277 : memref<1x125xi32, #tpu.memory_space<vmem>> -> memref<125xi32, #tpu.memory_space<vmem>>
        %dma_start3A_279 = arith.constant 0 : i32
        %dma_start3A_280 = tpu.memref_slice %arg21[%dma_start3A_279] : memref<10240xf32, #tpu.memory_space<vmem_shared>> -> memref<10240xf32, #tpu.memory_space<vmem_shared>>
        tpu.enqueue_indirect_dma source(%arg16 : memref<125xf32, #tpu.memory_space<vmem>>) target(%dma_start3A_280 : memref<10240xf32, #tpu.memory_space<vmem_shared>>) offsets(%dma_start3A_278 : memref<125xi32, #tpu.memory_space<vmem>>) semaphore(%run_scoped3A : memref<!tpu.dma_semaphore, #tpu.memory_space<semaphore_mem>>) {add = true}
        %dma_wait3A_281 = arith.constant 0 : i32
        %dma_wait3A_282 = tpu.memref_slice %arg10[%add3A_191, %dma_wait3A_281] : memref<80x125xi32, #tpu.memory_space<vmem>> -> memref<1x125xi32, #tpu.memory_space<vmem>>
        %dma_wait3A_283 = tpu.memref_squeeze %dma_wait3A_282 : memref<1x125xi32, #tpu.memory_space<vmem>> -> memref<125xi32, #tpu.memory_space<vmem>>
        %dma_wait3A_284 = arith.constant 0 : i32
        %dma_wait3A_285 = tpu.memref_slice %arg21[%dma_wait3A_284] : memref<10240xf32, #tpu.memory_space<vmem_shared>> -> memref<10240xf32, #tpu.memory_space<vmem_shared>>
        tpu.wait_indirect_dma semaphore(%run_scoped3A : memref<!tpu.dma_semaphore, #tpu.memory_space<semaphore_mem>>) src(%arg16 : memref<125xf32, #tpu.memory_space<vmem>>) dst(%dma_wait3A_285 : memref<10240xf32, #tpu.memory_space<vmem_shared>>)
        tpu.yield
      }) : () -> ()
      %dma_start3A_207 = arith.constant 0 : i32
      %dma_start3A_208 = tpu.memref_slice %arg11[%min3A_198, %dma_start3A_207] : memref<160x125xi32, #tpu.memory_space<vmem>> -> memref<1x125xi32, #tpu.memory_space<vmem>>
      %dma_start3A_209 = tpu.memref_squeeze %dma_start3A_208 : memref<1x125xi32, #tpu.memory_space<vmem>> -> memref<125xi32, #tpu.memory_space<vmem>>
      %dma_start3A_210 = arith.constant 0 : i32
      %dma_start3A_211 = tpu.memref_slice %arg3[%dma_start3A_210] : memref<10240xf32, #tpu.memory_space<hbm>> -> memref<10240xf32, #tpu.memory_space<hbm>>
      tpu.enqueue_indirect_dma source(%dma_start3A_211 : memref<10240xf32, #tpu.memory_space<hbm>>) target(%arg16 : memref<125xf32, #tpu.memory_space<vmem>>) offsets(%dma_start3A_209 : memref<125xi32, #tpu.memory_space<vmem>>) semaphore(%arg26 : memref<!tpu.dma_semaphore, #tpu.memory_space<semaphore_mem>>)
      %mul3A_212 = arith.constant 4 : i32
      %mul3A_213 = arith.muli %scan3A_148, %mul3A_212 : i32
      %add3A_214 = arith.constant 2 : i32
      %add3A_215 = arith.addi %mul3A_213, %add3A_214 : i32
      %add3A_216 = arith.constant 4 : i32
      %add3A_217 = arith.addi %add3A_215, %add3A_216 : i32
      %min3A_218 = arith.constant 159 : i32
      %min3A_219 = arith.minsi %add3A_217, %min3A_218 : i32
      %dma_wait3A_220 = arith.constant 0 : i32
      %dma_wait3A_221 = tpu.memref_slice %arg9[%add3A_215, %dma_wait3A_220] : memref<160x125xi32, #tpu.memory_space<vmem>> -> memref<1x125xi32, #tpu.memory_space<vmem>>
      %dma_wait3A_222 = tpu.memref_squeeze %dma_wait3A_221 : memref<1x125xi32, #tpu.memory_space<vmem>> -> memref<125xi32, #tpu.memory_space<vmem>>
      %dma_wait3A_223 = arith.constant 0 : i32
      %dma_wait3A_224 = arith.constant 0 : i32
      %dma_wait3A_225 = tpu.memref_slice %arg2[%dma_wait3A_223, %dma_wait3A_224] : memref<20000x64xf32, #tpu.memory_space<hbm>> -> memref<20000x64xf32, #tpu.memory_space<hbm>>
      tpu.wait_indirect_dma semaphore(%arg24 : memref<!tpu.dma_semaphore, #tpu.memory_space<semaphore_mem>>) src(%dma_wait3A_225 : memref<20000x64xf32, #tpu.memory_space<hbm>>) dst(%arg14 : memref<125x64xf32, #tpu.memory_space<vmem>>)
      "tpu.region"() ({
        %run_scoped3A = tpu.sem_alloc : memref<!tpu.dma_semaphore, #tpu.memory_space<semaphore_mem>>
        %dma_start3A_276 = arith.constant 0 : i32
        %dma_start3A_277 = tpu.memref_slice %arg11[%add3A_215, %dma_start3A_276] : memref<160x125xi32, #tpu.memory_space<vmem>> -> memref<1x125xi32, #tpu.memory_space<vmem>>
        %dma_start3A_278 = tpu.memref_squeeze %dma_start3A_277 : memref<1x125xi32, #tpu.memory_space<vmem>> -> memref<125xi32, #tpu.memory_space<vmem>>
        %dma_start3A_279 = arith.constant 0 : i32
        %dma_start3A_280 = arith.constant 0 : i32
        %dma_start3A_281 = tpu.memref_slice %arg20[%dma_start3A_279, %dma_start3A_280] : memref<10240x64xf32, #tpu.memory_space<vmem_shared>> -> memref<10240x64xf32, #tpu.memory_space<vmem_shared>>
        tpu.enqueue_indirect_dma source(%arg14 : memref<125x64xf32, #tpu.memory_space<vmem>>) target(%dma_start3A_281 : memref<10240x64xf32, #tpu.memory_space<vmem_shared>>) offsets(%dma_start3A_278 : memref<125xi32, #tpu.memory_space<vmem>>) semaphore(%run_scoped3A : memref<!tpu.dma_semaphore, #tpu.memory_space<semaphore_mem>>) {add = true}
        %dma_wait3A_282 = arith.constant 0 : i32
        %dma_wait3A_283 = tpu.memref_slice %arg11[%add3A_215, %dma_wait3A_282] : memref<160x125xi32, #tpu.memory_space<vmem>> -> memref<1x125xi32, #tpu.memory_space<vmem>>
        %dma_wait3A_284 = tpu.memref_squeeze %dma_wait3A_283 : memref<1x125xi32, #tpu.memory_space<vmem>> -> memref<125xi32, #tpu.memory_space<vmem>>
        %dma_wait3A_285 = arith.constant 0 : i32
        %dma_wait3A_286 = arith.constant 0 : i32
        %dma_wait3A_287 = tpu.memref_slice %arg20[%dma_wait3A_285, %dma_wait3A_286] : memref<10240x64xf32, #tpu.memory_space<vmem_shared>> -> memref<10240x64xf32, #tpu.memory_space<vmem_shared>>
        tpu.wait_indirect_dma semaphore(%run_scoped3A : memref<!tpu.dma_semaphore, #tpu.memory_space<semaphore_mem>>) src(%arg14 : memref<125x64xf32, #tpu.memory_space<vmem>>) dst(%dma_wait3A_287 : memref<10240x64xf32, #tpu.memory_space<vmem_shared>>)
        tpu.yield
      }) : () -> ()
      %dma_start3A_226 = arith.constant 0 : i32
      %dma_start3A_227 = tpu.memref_slice %arg9[%min3A_219, %dma_start3A_226] : memref<160x125xi32, #tpu.memory_space<vmem>> -> memref<1x125xi32, #tpu.memory_space<vmem>>
      %dma_start3A_228 = tpu.memref_squeeze %dma_start3A_227 : memref<1x125xi32, #tpu.memory_space<vmem>> -> memref<125xi32, #tpu.memory_space<vmem>>
      %dma_start3A_229 = arith.constant 0 : i32
      %dma_start3A_230 = arith.constant 0 : i32
      %dma_start3A_231 = tpu.memref_slice %arg2[%dma_start3A_229, %dma_start3A_230] : memref<20000x64xf32, #tpu.memory_space<hbm>> -> memref<20000x64xf32, #tpu.memory_space<hbm>>
      tpu.enqueue_indirect_dma source(%dma_start3A_231 : memref<20000x64xf32, #tpu.memory_space<hbm>>) target(%arg14 : memref<125x64xf32, #tpu.memory_space<vmem>>) offsets(%dma_start3A_228 : memref<125xi32, #tpu.memory_space<vmem>>) semaphore(%arg24 : memref<!tpu.dma_semaphore, #tpu.memory_space<semaphore_mem>>)
      %mul3A_232 = arith.constant 4 : i32
      %mul3A_233 = arith.muli %scan3A_148, %mul3A_232 : i32
      %add3A_234 = arith.constant 3 : i32
      %add3A_235 = arith.addi %mul3A_233, %add3A_234 : i32
      %add3A_236 = arith.constant 4 : i32
      %add3A_237 = arith.addi %add3A_235, %add3A_236 : i32
      %min3A_238 = arith.constant 159 : i32
      %min3A_239 = arith.minsi %add3A_237, %min3A_238 : i32
      %dma_wait3A_240 = arith.constant 0 : i32
      %dma_wait3A_241 = tpu.memref_slice %arg9[%add3A_235, %dma_wait3A_240] : memref<160x125xi32, #tpu.memory_space<vmem>> -> memref<1x125xi32, #tpu.memory_space<vmem>>
      %dma_wait3A_242 = tpu.memref_squeeze %dma_wait3A_241 : memref<1x125xi32, #tpu.memory_space<vmem>> -> memref<125xi32, #tpu.memory_space<vmem>>
      %dma_wait3A_243 = arith.constant 0 : i32
      %dma_wait3A_244 = arith.constant 0 : i32
      %dma_wait3A_245 = tpu.memref_slice %arg2[%dma_wait3A_243, %dma_wait3A_244] : memref<20000x64xf32, #tpu.memory_space<hbm>> -> memref<20000x64xf32, #tpu.memory_space<hbm>>
      tpu.wait_indirect_dma semaphore(%arg25 : memref<!tpu.dma_semaphore, #tpu.memory_space<semaphore_mem>>) src(%dma_wait3A_245 : memref<20000x64xf32, #tpu.memory_space<hbm>>) dst(%arg15 : memref<125x64xf32, #tpu.memory_space<vmem>>)
      "tpu.region"() ({
        %run_scoped3A = tpu.sem_alloc : memref<!tpu.dma_semaphore, #tpu.memory_space<semaphore_mem>>
        %dma_start3A_276 = arith.constant 0 : i32
        %dma_start3A_277 = tpu.memref_slice %arg11[%add3A_235, %dma_start3A_276] : memref<160x125xi32, #tpu.memory_space<vmem>> -> memref<1x125xi32, #tpu.memory_space<vmem>>
        %dma_start3A_278 = tpu.memref_squeeze %dma_start3A_277 : memref<1x125xi32, #tpu.memory_space<vmem>> -> memref<125xi32, #tpu.memory_space<vmem>>
        %dma_start3A_279 = arith.constant 0 : i32
        %dma_start3A_280 = arith.constant 0 : i32
        %dma_start3A_281 = tpu.memref_slice %arg20[%dma_start3A_279, %dma_start3A_280] : memref<10240x64xf32, #tpu.memory_space<vmem_shared>> -> memref<10240x64xf32, #tpu.memory_space<vmem_shared>>
        tpu.enqueue_indirect_dma source(%arg15 : memref<125x64xf32, #tpu.memory_space<vmem>>) target(%dma_start3A_281 : memref<10240x64xf32, #tpu.memory_space<vmem_shared>>) offsets(%dma_start3A_278 : memref<125xi32, #tpu.memory_space<vmem>>) semaphore(%run_scoped3A : memref<!tpu.dma_semaphore, #tpu.memory_space<semaphore_mem>>) {add = true}
        %dma_wait3A_282 = arith.constant 0 : i32
        %dma_wait3A_283 = tpu.memref_slice %arg11[%add3A_235, %dma_wait3A_282] : memref<160x125xi32, #tpu.memory_space<vmem>> -> memref<1x125xi32, #tpu.memory_space<vmem>>
        %dma_wait3A_284 = tpu.memref_squeeze %dma_wait3A_283 : memref<1x125xi32, #tpu.memory_space<vmem>> -> memref<125xi32, #tpu.memory_space<vmem>>
        %dma_wait3A_285 = arith.constant 0 : i32
        %dma_wait3A_286 = arith.constant 0 : i32
        %dma_wait3A_287 = tpu.memref_slice %arg20[%dma_wait3A_285, %dma_wait3A_286] : memref<10240x64xf32, #tpu.memory_space<vmem_shared>> -> memref<10240x64xf32, #tpu.memory_space<vmem_shared>>
        tpu.wait_indirect_dma semaphore(%run_scoped3A : memref<!tpu.dma_semaphore, #tpu.memory_space<semaphore_mem>>) src(%arg15 : memref<125x64xf32, #tpu.memory_space<vmem>>) dst(%dma_wait3A_287 : memref<10240x64xf32, #tpu.memory_space<vmem_shared>>)
        tpu.yield
      }) : () -> ()
      %dma_start3A_246 = arith.constant 0 : i32
      %dma_start3A_247 = tpu.memref_slice %arg9[%min3A_239, %dma_start3A_246] : memref<160x125xi32, #tpu.memory_space<vmem>> -> memref<1x125xi32, #tpu.memory_space<vmem>>
      %dma_start3A_248 = tpu.memref_squeeze %dma_start3A_247 : memref<1x125xi32, #tpu.memory_space<vmem>> -> memref<125xi32, #tpu.memory_space<vmem>>
      %dma_start3A_249 = arith.constant 0 : i32
      %dma_start3A_250 = arith.constant 0 : i32
      %dma_start3A_251 = tpu.memref_slice %arg2[%dma_start3A_249, %dma_start3A_250] : memref<20000x64xf32, #tpu.memory_space<hbm>> -> memref<20000x64xf32, #tpu.memory_space<hbm>>
      tpu.enqueue_indirect_dma source(%dma_start3A_251 : memref<20000x64xf32, #tpu.memory_space<hbm>>) target(%arg15 : memref<125x64xf32, #tpu.memory_space<vmem>>) offsets(%dma_start3A_248 : memref<125xi32, #tpu.memory_space<vmem>>) semaphore(%arg25 : memref<!tpu.dma_semaphore, #tpu.memory_space<semaphore_mem>>)
      %mul3A_252 = arith.constant 2 : i32
      %mul3A_253 = arith.muli %scan3A_148, %mul3A_252 : i32
      %add3A_254 = arith.constant 1 : i32
      %add3A_255 = arith.addi %mul3A_253, %add3A_254 : i32
      %mul3A_256 = arith.constant 80 : i32
      %mul3A_257 = arith.muli %arg0, %mul3A_256 : i32
      %add3A_258 = arith.addi %mul3A_257, %add3A_255 : i32
      %add3A_259 = arith.constant 2 : i32
      %add3A_260 = arith.addi %add3A_258, %add3A_259 : i32
      %min3A_261 = arith.constant 159 : i32
      %min3A_262 = arith.minsi %add3A_260, %min3A_261 : i32
      %mul3A_263 = arith.constant 80 : i32
      %mul3A_264 = arith.muli %arg0, %mul3A_263 : i32
      %add3A_265 = arith.addi %mul3A_264, %add3A_255 : i32
      %dma_wait3A_266 = arith.constant 0 : i32
      %dma_wait3A_267 = tpu.memref_slice %arg11[%add3A_265, %dma_wait3A_266] : memref<160x125xi32, #tpu.memory_space<vmem>> -> memref<1x125xi32, #tpu.memory_space<vmem>>
      %dma_wait3A_268 = tpu.memref_squeeze %dma_wait3A_267 : memref<1x125xi32, #tpu.memory_space<vmem>> -> memref<125xi32, #tpu.memory_space<vmem>>
      %dma_wait3A_269 = arith.constant 0 : i32
      %dma_wait3A_270 = tpu.memref_slice %arg3[%dma_wait3A_269] : memref<10240xf32, #tpu.memory_space<hbm>> -> memref<10240xf32, #tpu.memory_space<hbm>>
      tpu.wait_indirect_dma semaphore(%arg27 : memref<!tpu.dma_semaphore, #tpu.memory_space<semaphore_mem>>) src(%dma_wait3A_270 : memref<10240xf32, #tpu.memory_space<hbm>>) dst(%arg17 : memref<125xf32, #tpu.memory_space<vmem>>)
      "tpu.region"() ({
        %run_scoped3A = tpu.sem_alloc : memref<!tpu.dma_semaphore, #tpu.memory_space<semaphore_mem>>
        %dma_start3A_276 = arith.constant 0 : i32
        %dma_start3A_277 = tpu.memref_slice %arg10[%add3A_255, %dma_start3A_276] : memref<80x125xi32, #tpu.memory_space<vmem>> -> memref<1x125xi32, #tpu.memory_space<vmem>>
        %dma_start3A_278 = tpu.memref_squeeze %dma_start3A_277 : memref<1x125xi32, #tpu.memory_space<vmem>> -> memref<125xi32, #tpu.memory_space<vmem>>
        %dma_start3A_279 = arith.constant 0 : i32
        %dma_start3A_280 = tpu.memref_slice %arg21[%dma_start3A_279] : memref<10240xf32, #tpu.memory_space<vmem_shared>> -> memref<10240xf32, #tpu.memory_space<vmem_shared>>
        tpu.enqueue_indirect_dma source(%arg17 : memref<125xf32, #tpu.memory_space<vmem>>) target(%dma_start3A_280 : memref<10240xf32, #tpu.memory_space<vmem_shared>>) offsets(%dma_start3A_278 : memref<125xi32, #tpu.memory_space<vmem>>) semaphore(%run_scoped3A : memref<!tpu.dma_semaphore, #tpu.memory_space<semaphore_mem>>) {add = true}
        %dma_wait3A_281 = arith.constant 0 : i32
        %dma_wait3A_282 = tpu.memref_slice %arg10[%add3A_255, %dma_wait3A_281] : memref<80x125xi32, #tpu.memory_space<vmem>> -> memref<1x125xi32, #tpu.memory_space<vmem>>
        %dma_wait3A_283 = tpu.memref_squeeze %dma_wait3A_282 : memref<1x125xi32, #tpu.memory_space<vmem>> -> memref<125xi32, #tpu.memory_space<vmem>>
        %dma_wait3A_284 = arith.constant 0 : i32
        %dma_wait3A_285 = tpu.memref_slice %arg21[%dma_wait3A_284] : memref<10240xf32, #tpu.memory_space<vmem_shared>> -> memref<10240xf32, #tpu.memory_space<vmem_shared>>
        tpu.wait_indirect_dma semaphore(%run_scoped3A : memref<!tpu.dma_semaphore, #tpu.memory_space<semaphore_mem>>) src(%arg17 : memref<125xf32, #tpu.memory_space<vmem>>) dst(%dma_wait3A_285 : memref<10240xf32, #tpu.memory_space<vmem_shared>>)
        tpu.yield
      }) : () -> ()
      %dma_start3A_271 = arith.constant 0 : i32
      %dma_start3A_272 = tpu.memref_slice %arg11[%min3A_262, %dma_start3A_271] : memref<160x125xi32, #tpu.memory_space<vmem>> -> memref<1x125xi32, #tpu.memory_space<vmem>>
      %dma_start3A_273 = tpu.memref_squeeze %dma_start3A_272 : memref<1x125xi32, #tpu.memory_space<vmem>> -> memref<125xi32, #tpu.memory_space<vmem>>
      %dma_start3A_274 = arith.constant 0 : i32
      %dma_start3A_275 = tpu.memref_slice %arg3[%dma_start3A_274] : memref<10240xf32, #tpu.memory_space<hbm>> -> memref<10240xf32, #tpu.memory_space<hbm>>
      tpu.enqueue_indirect_dma source(%dma_start3A_275 : memref<10240xf32, #tpu.memory_space<hbm>>) target(%arg17 : memref<125xf32, #tpu.memory_space<vmem>>) offsets(%dma_start3A_273 : memref<125xi32, #tpu.memory_space<vmem>>) semaphore(%arg27 : memref<!tpu.dma_semaphore, #tpu.memory_space<semaphore_mem>>)
    }
    %scan3A_103 = arith.constant 40 : i32
    %dma_wait3A = arith.constant 0 : i32
    %dma_wait3A_104 = arith.constant 0 : i32
    %dma_wait3A_105 = tpu.memref_slice %arg9[%dma_wait3A, %dma_wait3A_104] : memref<160x125xi32, #tpu.memory_space<vmem>> -> memref<1x125xi32, #tpu.memory_space<vmem>>
    %dma_wait3A_106 = tpu.memref_squeeze %dma_wait3A_105 : memref<1x125xi32, #tpu.memory_space<vmem>> -> memref<125xi32, #tpu.memory_space<vmem>>
    %dma_wait3A_107 = arith.constant 0 : i32
    %dma_wait3A_108 = arith.constant 0 : i32
    %dma_wait3A_109 = tpu.memref_slice %arg2[%dma_wait3A_107, %dma_wait3A_108] : memref<20000x64xf32, #tpu.memory_space<hbm>> -> memref<20000x64xf32, #tpu.memory_space<hbm>>
    tpu.wait_indirect_dma semaphore(%arg22 : memref<!tpu.dma_semaphore, #tpu.memory_space<semaphore_mem>>) src(%dma_wait3A_109 : memref<20000x64xf32, #tpu.memory_space<hbm>>) dst(%arg12 : memref<125x64xf32, #tpu.memory_space<vmem>>)
    %dma_wait3A_110 = arith.constant 0 : i32
    %dma_wait3A_111 = arith.constant 0 : i32
    %dma_wait3A_112 = tpu.memref_slice %arg9[%dma_wait3A_110, %dma_wait3A_111] : memref<160x125xi32, #tpu.memory_space<vmem>> -> memref<1x125xi32, #tpu.memory_space<vmem>>
    %dma_wait3A_113 = tpu.memref_squeeze %dma_wait3A_112 : memref<1x125xi32, #tpu.memory_space<vmem>> -> memref<125xi32, #tpu.memory_space<vmem>>
    %dma_wait3A_114 = arith.constant 0 : i32
    %dma_wait3A_115 = arith.constant 0 : i32
    %dma_wait3A_116 = tpu.memref_slice %arg2[%dma_wait3A_114, %dma_wait3A_115] : memref<20000x64xf32, #tpu.memory_space<hbm>> -> memref<20000x64xf32, #tpu.memory_space<hbm>>
    tpu.wait_indirect_dma semaphore(%arg23 : memref<!tpu.dma_semaphore, #tpu.memory_space<semaphore_mem>>) src(%dma_wait3A_116 : memref<20000x64xf32, #tpu.memory_space<hbm>>) dst(%arg13 : memref<125x64xf32, #tpu.memory_space<vmem>>)
    %dma_wait3A_117 = arith.constant 0 : i32
    %dma_wait3A_118 = arith.constant 0 : i32
    %dma_wait3A_119 = tpu.memref_slice %arg9[%dma_wait3A_117, %dma_wait3A_118] : memref<160x125xi32, #tpu.memory_space<vmem>> -> memref<1x125xi32, #tpu.memory_space<vmem>>
    %dma_wait3A_120 = tpu.memref_squeeze %dma_wait3A_119 : memref<1x125xi32, #tpu.memory_space<vmem>> -> memref<125xi32, #tpu.memory_space<vmem>>
    %dma_wait3A_121 = arith.constant 0 : i32
    %dma_wait3A_122 = arith.constant 0 : i32
    %dma_wait3A_123 = tpu.memref_slice %arg2[%dma_wait3A_121, %dma_wait3A_122] : memref<20000x64xf32, #tpu.memory_space<hbm>> -> memref<20000x64xf32, #tpu.memory_space<hbm>>
    tpu.wait_indirect_dma semaphore(%arg24 : memref<!tpu.dma_semaphore, #tpu.memory_space<semaphore_mem>>) src(%dma_wait3A_123 : memref<20000x64xf32, #tpu.memory_space<hbm>>) dst(%arg14 : memref<125x64xf32, #tpu.memory_space<vmem>>)
    %dma_wait3A_124 = arith.constant 0 : i32
    %dma_wait3A_125 = arith.constant 0 : i32
    %dma_wait3A_126 = tpu.memref_slice %arg9[%dma_wait3A_124, %dma_wait3A_125] : memref<160x125xi32, #tpu.memory_space<vmem>> -> memref<1x125xi32, #tpu.memory_space<vmem>>
    %dma_wait3A_127 = tpu.memref_squeeze %dma_wait3A_126 : memref<1x125xi32, #tpu.memory_space<vmem>> -> memref<125xi32, #tpu.memory_space<vmem>>
    %dma_wait3A_128 = arith.constant 0 : i32
    %dma_wait3A_129 = arith.constant 0 : i32
    %dma_wait3A_130 = tpu.memref_slice %arg2[%dma_wait3A_128, %dma_wait3A_129] : memref<20000x64xf32, #tpu.memory_space<hbm>> -> memref<20000x64xf32, #tpu.memory_space<hbm>>
    tpu.wait_indirect_dma semaphore(%arg25 : memref<!tpu.dma_semaphore, #tpu.memory_space<semaphore_mem>>) src(%dma_wait3A_130 : memref<20000x64xf32, #tpu.memory_space<hbm>>) dst(%arg15 : memref<125x64xf32, #tpu.memory_space<vmem>>)
    %dma_wait3A_131 = arith.constant 0 : i32
    %dma_wait3A_132 = arith.constant 0 : i32
    %dma_wait3A_133 = tpu.memref_slice %arg11[%dma_wait3A_131, %dma_wait3A_132] : memref<160x125xi32, #tpu.memory_space<vmem>> -> memref<1x125xi32, #tpu.memory_space<vmem>>
    %dma_wait3A_134 = tpu.memref_squeeze %dma_wait3A_133 : memref<1x125xi32, #tpu.memory_space<vmem>> -> memref<125xi32, #tpu.memory_space<vmem>>
    %dma_wait3A_135 = arith.constant 0 : i32
    %dma_wait3A_136 = tpu.memref_slice %arg3[%dma_wait3A_135] : memref<10240xf32, #tpu.memory_space<hbm>> -> memref<10240xf32, #tpu.memory_space<hbm>>
    tpu.wait_indirect_dma semaphore(%arg26 : memref<!tpu.dma_semaphore, #tpu.memory_space<semaphore_mem>>) src(%dma_wait3A_136 : memref<10240xf32, #tpu.memory_space<hbm>>) dst(%arg16 : memref<125xf32, #tpu.memory_space<vmem>>)
    %dma_wait3A_137 = arith.constant 0 : i32
    %dma_wait3A_138 = arith.constant 0 : i32
    %dma_wait3A_139 = tpu.memref_slice %arg11[%dma_wait3A_137, %dma_wait3A_138] : memref<160x125xi32, #tpu.memory_space<vmem>> -> memref<1x125xi32, #tpu.memory_space<vmem>>
    %dma_wait3A_140 = tpu.memref_squeeze %dma_wait3A_139 : memref<1x125xi32, #tpu.memory_space<vmem>> -> memref<125xi32, #tpu.memory_space<vmem>>
    %dma_wait3A_141 = arith.constant 0 : i32
    %dma_wait3A_142 = tpu.memref_slice %arg3[%dma_wait3A_141] : memref<10240xf32, #tpu.memory_space<hbm>> -> memref<10240xf32, #tpu.memory_space<hbm>>
    tpu.wait_indirect_dma semaphore(%arg27 : memref<!tpu.dma_semaphore, #tpu.memory_space<semaphore_mem>>) src(%dma_wait3A_142 : memref<10240xf32, #tpu.memory_space<hbm>>) dst(%arg17 : memref<125xf32, #tpu.memory_space<vmem>>)
    %barrier3A_143 = arith.constant 0 : index
    tpu.barrier barrier_id(%barrier3A_143)
    %mul3A_144 = arith.constant 640 : i32
    %mul3A_145 = arith.muli %arg1, %mul3A_144 : i32
    %mul3A_146 = arith.constant 64 : i32
    %mul3A_147 = arith.muli %arg0, %mul3A_146 : i32
    "tpu.region"() ({
      %run_scoped3A = tpu.sem_alloc : memref<!tpu.dma_semaphore, #tpu.memory_space<semaphore_mem>>
      %dma_start3A_148 = tpu.memref_slice %arg7[%mul3A_145, %mul3A_147] : memref<10240x128xf32, #tpu.memory_space<hbm>> -> memref<640x64xf32, #tpu.memory_space<hbm>>
      %dma_start3A_149 = arith.constant 0 : i32
      %dma_start3A_150 = tpu.memref_slice %arg20[%mul3A_145, %dma_start3A_149] : memref<10240x64xf32, #tpu.memory_space<vmem_shared>> -> memref<640x64xf32, #tpu.memory_space<vmem_shared>>
      tpu.enqueue_dma source(%dma_start3A_150 : memref<640x64xf32, #tpu.memory_space<vmem_shared>>) target(%dma_start3A_148 : memref<640x64xf32, #tpu.memory_space<hbm>>) target_semaphore(%run_scoped3A : memref<!tpu.dma_semaphore, #tpu.memory_space<semaphore_mem>>)
      %dma_wait3A_151 = tpu.memref_slice %arg7[%mul3A_145, %mul3A_147] : memref<10240x128xf32, #tpu.memory_space<hbm>> -> memref<640x64xf32, #tpu.memory_space<hbm>>
      %dma_wait3A_152 = arith.constant 0 : i32
      %dma_wait3A_153 = tpu.memref_slice %arg20[%mul3A_145, %dma_wait3A_152] : memref<10240x64xf32, #tpu.memory_space<vmem_shared>> -> memref<640x64xf32, #tpu.memory_space<vmem_shared>>
      tpu.wait_dma2 semaphore(%run_scoped3A : memref<!tpu.dma_semaphore, #tpu.memory_space<semaphore_mem>>) src(%dma_wait3A_153 : memref<640x64xf32, #tpu.memory_space<vmem_shared>>) dst(%dma_wait3A_151 : memref<640x64xf32, #tpu.memory_space<hbm>>)
      tpu.yield
    }) : () -> ()
    "tpu.region"() ({
      %run_scoped3A = tpu.sem_alloc : memref<!tpu.dma_semaphore, #tpu.memory_space<semaphore_mem>>
      %dma_start3A_148 = tpu.memref_slice %arg8[%arg0, %mul3A_145] : memref<2x10240xf32, #tpu.memory_space<hbm>> -> memref<1x640xf32, #tpu.memory_space<hbm>>
      %dma_start3A_149 = tpu.memref_squeeze %dma_start3A_148 : memref<1x640xf32, #tpu.memory_space<hbm>> -> memref<640xf32, #tpu.memory_space<hbm>>
      %dma_start3A_150 = tpu.memref_slice %arg21[%mul3A_145] : memref<10240xf32, #tpu.memory_space<vmem_shared>> -> memref<640xf32, #tpu.memory_space<vmem_shared>>
      tpu.enqueue_dma source(%dma_start3A_150 : memref<640xf32, #tpu.memory_space<vmem_shared>>) target(%dma_start3A_149 : memref<640xf32, #tpu.memory_space<hbm>>) target_semaphore(%run_scoped3A : memref<!tpu.dma_semaphore, #tpu.memory_space<semaphore_mem>>)
      %dma_wait3A_151 = tpu.memref_slice %arg8[%arg0, %mul3A_145] : memref<2x10240xf32, #tpu.memory_space<hbm>> -> memref<1x640xf32, #tpu.memory_space<hbm>>
      %dma_wait3A_152 = tpu.memref_squeeze %dma_wait3A_151 : memref<1x640xf32, #tpu.memory_space<hbm>> -> memref<640xf32, #tpu.memory_space<hbm>>
      %dma_wait3A_153 = tpu.memref_slice %arg21[%mul3A_145] : memref<10240xf32, #tpu.memory_space<vmem_shared>> -> memref<640xf32, #tpu.memory_space<vmem_shared>>
      tpu.wait_dma2 semaphore(%run_scoped3A : memref<!tpu.dma_semaphore, #tpu.memory_space<semaphore_mem>>) src(%dma_wait3A_153 : memref<640xf32, #tpu.memory_space<vmem_shared>>) dst(%dma_wait3A_152 : memref<640xf32, #tpu.memory_space<hbm>>)
      tpu.yield
    }) : () -> ()
    return
  }
}

module attributes {stable_mosaic.version = 14 : i64} {
  func.func @_prep_body(%arg0: memref<10000x128xf32, #tpu.memory_space<vmem>>, %arg1: memref<2x2x10240xf32, #tpu.memory_space<vmem>>, %arg2: memref<10000x128xf32, #tpu.memory_space<vmem>>, %arg3: memref<2x10240xf32, #tpu.memory_space<vmem>>, %arg4: memref<10240xf32, #tpu.memory_space<vmem>>) attributes {dimension_semantics = [], scalar_prefetch = 0 : i64, scratch_operands = 0 : i64, tpu.core_type = #tpu.core_type<tc>} {
    %get3A = arith.constant 0 : index
    %get3A_0 = arith.constant 0 : index
    %get3A_1 = arith.constant 0 : index
    %get3A_2 = vector.load %arg1[%get3A, %get3A_0, %get3A_1] : memref<2x2x10240xf32, #tpu.memory_space<vmem>>, vector<1x2x10240xf32>
    %get3A_3 = vector.shape_cast %get3A_2 : vector<1x2x10240xf32> to vector<2x10240xf32>
    %get3A_4 = arith.constant 1 : index
    %get3A_5 = arith.constant 0 : index
    %get3A_6 = arith.constant 0 : index
    %get3A_7 = vector.load %arg1[%get3A_4, %get3A_5, %get3A_6] : memref<2x2x10240xf32, #tpu.memory_space<vmem>>, vector<1x2x10240xf32>
    %get3A_8 = vector.shape_cast %get3A_7 : vector<1x2x10240xf32> to vector<2x10240xf32>
    %add3A = arith.addf %get3A_3, %get3A_8 : vector<2x10240xf32>
    %max3A = arith.constant 1.000000e+00 : f32
    %max3A_9 = vector.broadcast %max3A : f32 to vector<2x10240xf32>
    %max3A_10 = arith.maximumf %add3A, %max3A_9 : vector<2x10240xf32>
    %rsqrt3A = math.rsqrt %max3A_10 : vector<2x10240xf32>
    %swap3A = arith.constant 0 : index
    %swap3A_11 = arith.constant 0 : index
    %swap3A_12 = vector.load %arg3[%swap3A, %swap3A_11] : memref<2x10240xf32, #tpu.memory_space<vmem>>, vector<2x10240xf32>
    tpu.vector_store %arg3[%swap3A, %swap3A_11], %rsqrt3A {strides = array<i32>} : memref<2x10240xf32, #tpu.memory_space<vmem>>, vector<2x10240xf32>,
    %slice3A = vector.extract_strided_slice %rsqrt3A {offsets = [1, 0], sizes = [1, 10240], strides = [1, 1]} : vector<2x10240xf32> to vector<1x10240xf32>
    %squeeze3A = vector.shape_cast %slice3A : vector<1x10240xf32> to vector<10240xf32>
    %swap3A_13 = arith.constant 0 : index
    %swap3A_14 = vector.load %arg4[%swap3A_13] : memref<10240xf32, #tpu.memory_space<vmem>>, vector<10240xf32>
    tpu.vector_store %arg4[%swap3A_13], %squeeze3A {strides = array<i32>} : memref<10240xf32, #tpu.memory_space<vmem>>, vector<10240xf32>,
    %slice3A_15 = vector.extract_strided_slice %rsqrt3A {offsets = [0, 0], sizes = [1, 10000], strides = [1, 1]} : vector<2x10240xf32> to vector<1x10000xf32>
    %squeeze3A_16 = vector.shape_cast %slice3A_15 : vector<1x10000xf32> to vector<10000xf32>
    %reshape3A = vector.shape_cast %squeeze3A_16 : vector<10000xf32> to vector<10000x1xf32>
    %get3A_17 = arith.constant 0 : index
    %get3A_18 = arith.constant 0 : index
    %get3A_19 = vector.load %arg0[%get3A_17, %get3A_18] : memref<10000x128xf32, #tpu.memory_space<vmem>>, vector<10000x128xf32>
    %reduce_sum3A = arith.constant dense<0.000000e+00> : vector<10000xf32>
    %reduce_sum3A_20 = vector.multi_reduction <add>, %get3A_19, %reduce_sum3A [1] : vector<10000x128xf32> to vector<10000xf32>
    %broadcast_in_dim3A = vector.shape_cast %reduce_sum3A_20 : vector<10000xf32> to vector<10000x1xf32>
    %ne3A = arith.constant 0.000000e+00 : f32
    %ne3A_21 = vector.broadcast %ne3A : f32 to vector<10000x1xf32>
    %ne3A_22 = arith.cmpf one, %broadcast_in_dim3A, %ne3A_21 : vector<10000x1xf32>
    %convert_element_type3A = arith.extui %ne3A_22 : vector<10000x1xi1> to vector<10000x1xi32>
    %convert_element_type3A_23 = arith.sitofp %convert_element_type3A : vector<10000x1xi32> to vector<10000x1xf32>
    %mul3A = arith.mulf %convert_element_type3A_23, %reshape3A : vector<10000x1xf32>
    %mul3A_24 = vector.broadcast %mul3A : vector<10000x1xf32> to vector<10000x128xf32>
    %mul3A_25 = arith.mulf %get3A_19, %mul3A_24 : vector<10000x128xf32>
    %swap3A_26 = arith.constant 0 : index
    %swap3A_27 = arith.constant 0 : index
    %swap3A_28 = vector.load %arg2[%swap3A_26, %swap3A_27] : memref<10000x128xf32, #tpu.memory_space<vmem>>, vector<10000x128xf32>
    tpu.vector_store %arg2[%swap3A_26, %swap3A_27], %mul3A_25 {strides = array<i32>} : memref<10000x128xf32, #tpu.memory_space<vmem>>, vector<10000x128xf32>,
    return
  }
}

module attributes {stable_mosaic.version = 14 : i64} {
  func.func @_final_body(%arg0: i32, %arg1: memref<1280x128xf32, #tpu.memory_space<vmem>>, %arg2: memref<2x1280xf32, #tpu.memory_space<vmem>>, %arg3: memref<2x1280xf32, #tpu.memory_space<vmem>>, %arg4: memref<128x128xf32, #tpu.memory_space<vmem>>, %arg5: memref<1x128xf32, #tpu.memory_space<vmem>>, %arg6: memref<128x128xf32, #tpu.memory_space<vmem>>, %arg7: memref<1x128xf32, #tpu.memory_space<vmem>>, %arg8: memref<1x128xf32, #tpu.memory_space<vmem>>, %arg9: memref<1x128xf32, #tpu.memory_space<vmem>>) attributes {dimension_semantics = [#tpu.dimension_semantics<arbitrary>], iteration_bounds = array<i64: 8>, scalar_prefetch = 0 : i64, scratch_operands = 1 : i64, tpu.core_type = #tpu.core_type<tc>, window_params = [{transform_indices = @transform_0, window_bounds = array<i64: 1280, 128>}, {transform_indices = @transform_1, window_bounds = array<i64: 2, 1280>}, {transform_indices = @transform_2, window_bounds = array<i64: 2, 1280>}, {pipeline_mode = #tpu.pipeline_mode<synchronous>, transform_indices = @transform_3, window_bounds = array<i64: 128, 128>}, {pipeline_mode = #tpu.pipeline_mode<synchronous>, transform_indices = @transform_4, window_bounds = array<i64: 1, 128>}, {pipeline_mode = #tpu.pipeline_mode<synchronous>, transform_indices = @transform_5, window_bounds = array<i64: 128, 128>}, {pipeline_mode = #tpu.pipeline_mode<synchronous>, transform_indices = @transform_6, window_bounds = array<i64: 1, 128>}, {pipeline_mode = #tpu.pipeline_mode<synchronous>, transform_indices = @transform_7, window_bounds = array<i64: 1, 128>}]} {
    %eq3A = arith.constant 0 : i32
    %eq3A_0 = arith.cmpi eq, %arg0, %eq3A : i32
    %convert_element_type3A = arith.extui %eq3A_0 : i1 to i32
    %cond3A = arith.constant 0 : i32
    %cond3A_1 = arith.cmpi ne, %convert_element_type3A, %cond3A : i32
    scf.if %cond3A_1 {
      %broadcast_in_dim3A_48 = arith.constant 0.000000e+00 : f32
      %broadcast_in_dim3A_49 = vector.broadcast %broadcast_in_dim3A_48 : f32 to vector<1x128xf32>
      %swap3A_50 = arith.constant 0 : index
      %swap3A_51 = arith.constant 0 : index
      %swap3A_52 = vector.load %arg9[%swap3A_50, %swap3A_51] : memref<1x128xf32, #tpu.memory_space<vmem>>, vector<1x128xf32>
      tpu.vector_store %arg9[%swap3A_50, %swap3A_51], %broadcast_in_dim3A_49 {strides = array<i32>} : memref<1x128xf32, #tpu.memory_space<vmem>>, vector<1x128xf32>,
    } else {
    }
    %get3A = arith.constant 0 : index
    %get3A_2 = arith.constant 0 : index
    %get3A_3 = vector.load %arg1[%get3A, %get3A_2] : memref<1280x128xf32, #tpu.memory_space<vmem>>, vector<1280x128xf32>
    %get3A_4 = arith.constant 1 : index
    %get3A_5 = arith.constant 0 : index
    %get3A_6 = vector.load %arg3[%get3A_4, %get3A_5] : memref<2x1280xf32, #tpu.memory_space<vmem>>, vector<1x1280xf32>
    %get3A_7 = vector.shape_cast %get3A_6 : vector<1x1280xf32> to vector<1280xf32>
    %reshape3A = vector.shape_cast %get3A_7 : vector<1280xf32> to vector<1280x1xf32>
    %mul3A = vector.broadcast %reshape3A : vector<1280x1xf32> to vector<1280x128xf32>
    %mul3A_8 = arith.mulf %get3A_3, %mul3A : vector<1280x128xf32>
    %get3A_9 = arith.constant 0 : index
    %get3A_10 = arith.constant 0 : index
    %get3A_11 = vector.load %arg4[%get3A_9, %get3A_10] : memref<128x128xf32, #tpu.memory_space<vmem>>, vector<128x128xf32>
    %dot_general3A = arith.constant dense<0.000000e+00> : vector<1280x128xf32>
    %dot_general3A_12 = tpu.matmul %mul3A_8, %get3A_11, %dot_general3A {dimension_numbers = #tpu.dot_dimension_numbers<[1], [0], [0], [1], [0, 0, 1, 1], [], []>, transpose_lhs_hint = false} : vector<1280x128xf32>, vector<128x128xf32>, vector<1280x128xf32> -> vector<1280x128xf32>
    %get3A_13 = arith.constant 0 : index
    %get3A_14 = arith.constant 0 : index
    %get3A_15 = vector.load %arg5[%get3A_13, %get3A_14] : memref<1x128xf32, #tpu.memory_space<vmem>>, vector<1x128xf32>
    %add3A = vector.broadcast %get3A_15 : vector<1x128xf32> to vector<1280x128xf32>
    %add3A_16 = arith.addf %dot_general3A_12, %add3A : vector<1280x128xf32>
    %max3A = arith.constant 0.000000e+00 : f32
    %max3A_17 = vector.broadcast %max3A : f32 to vector<1280x128xf32>
    %max3A_18 = arith.maximumf %add3A_16, %max3A_17 : vector<1280x128xf32>
    %get3A_19 = arith.constant 0 : index
    %get3A_20 = arith.constant 0 : index
    %get3A_21 = vector.load %arg3[%get3A_19, %get3A_20] : memref<2x1280xf32, #tpu.memory_space<vmem>>, vector<1x1280xf32>
    %get3A_22 = vector.shape_cast %get3A_21 : vector<1x1280xf32> to vector<1280xf32>
    %get3A_23 = arith.constant 0 : index
    %get3A_24 = arith.constant 0 : index
    %get3A_25 = vector.load %arg2[%get3A_23, %get3A_24] : memref<2x1280xf32, #tpu.memory_space<vmem>>, vector<1x1280xf32>
    %get3A_26 = vector.shape_cast %get3A_25 : vector<1x1280xf32> to vector<1280xf32>
    %get3A_27 = arith.constant 1 : index
    %get3A_28 = arith.constant 0 : index
    %get3A_29 = vector.load %arg2[%get3A_27, %get3A_28] : memref<2x1280xf32, #tpu.memory_space<vmem>>, vector<1x1280xf32>
    %get3A_30 = vector.shape_cast %get3A_29 : vector<1x1280xf32> to vector<1280xf32>
    %add3A_31 = arith.addf %get3A_26, %get3A_30 : vector<1280xf32>
    %mul3A_32 = arith.mulf %get3A_22, %add3A_31 : vector<1280xf32>
    %get3A_33 = arith.constant 0 : index
    %get3A_34 = arith.constant 0 : index
    %get3A_35 = vector.load %arg9[%get3A_33, %get3A_34] : memref<1x128xf32, #tpu.memory_space<vmem>>, vector<1x128xf32>
    %reshape3A_36 = vector.shape_cast %mul3A_32 : vector<1280xf32> to vector<1280x1xf32>
    %mul3A_37 = vector.broadcast %reshape3A_36 : vector<1280x1xf32> to vector<1280x128xf32>
    %mul3A_38 = arith.mulf %max3A_18, %mul3A_37 : vector<1280x128xf32>
    %reduce_sum3A = arith.constant dense<0.000000e+00> : vector<128xf32>
    %reduce_sum3A_39 = vector.multi_reduction <add>, %mul3A_38, %reduce_sum3A [0] : vector<1280x128xf32> to vector<128xf32>
    %broadcast_in_dim3A = vector.shape_cast %reduce_sum3A_39 : vector<128xf32> to vector<1x128xf32>
    %add3A_40 = arith.addf %get3A_35, %broadcast_in_dim3A : vector<1x128xf32>
    %swap3A = arith.constant 0 : index
    %swap3A_41 = arith.constant 0 : index
    %swap3A_42 = vector.load %arg9[%swap3A, %swap3A_41] : memref<1x128xf32, #tpu.memory_space<vmem>>, vector<1x128xf32>
    tpu.vector_store %arg9[%swap3A, %swap3A_41], %add3A_40 {strides = array<i32>} : memref<1x128xf32, #tpu.memory_space<vmem>>, vector<1x128xf32>,
    %eq3A_43 = arith.constant 7 : i32
    %eq3A_44 = arith.cmpi eq, %arg0, %eq3A_43 : i32
    %convert_element_type3A_45 = arith.extui %eq3A_44 : i1 to i32
    %cond3A_46 = arith.constant 0 : i32
    %cond3A_47 = arith.cmpi ne, %convert_element_type3A_45, %cond3A_46 : i32
    scf.if %cond3A_47 {
      %get3A_48 = arith.constant 0 : index
      %get3A_49 = arith.constant 0 : index
      %get3A_50 = vector.load %arg9[%get3A_48, %get3A_49] : memref<1x128xf32, #tpu.memory_space<vmem>>, vector<1x128xf32>
      %mul3A_51 = arith.constant 9.99999974E-5 : f32
      %mul3A_52 = vector.broadcast %mul3A_51 : f32 to vector<1x128xf32>
      %mul3A_53 = arith.mulf %get3A_50, %mul3A_52 : vector<1x128xf32>
      %get3A_54 = arith.constant 0 : index
      %get3A_55 = arith.constant 0 : index
      %get3A_56 = vector.load %arg6[%get3A_54, %get3A_55] : memref<128x128xf32, #tpu.memory_space<vmem>>, vector<128x128xf32>
      %dot_general3A_57 = arith.constant dense<0.000000e+00> : vector<1x128xf32>
      %dot_general3A_58 = tpu.matmul %mul3A_53, %get3A_56, %dot_general3A_57 {dimension_numbers = #tpu.dot_dimension_numbers<[1], [0], [0], [1], [0, 0, 1, 1], [], []>, transpose_lhs_hint = false} : vector<1x128xf32>, vector<128x128xf32>, vector<1x128xf32> -> vector<1x128xf32>
      %get3A_59 = arith.constant 0 : index
      %get3A_60 = arith.constant 0 : index
      %get3A_61 = vector.load %arg7[%get3A_59, %get3A_60] : memref<1x128xf32, #tpu.memory_space<vmem>>, vector<1x128xf32>
      %add3A_62 = arith.addf %dot_general3A_58, %get3A_61 : vector<1x128xf32>
      %swap3A_63 = arith.constant 0 : index
      %swap3A_64 = arith.constant 0 : index
      %swap3A_65 = vector.load %arg8[%swap3A_63, %swap3A_64] : memref<1x128xf32, #tpu.memory_space<vmem>>, vector<1x128xf32>
      tpu.vector_store %arg8[%swap3A_63, %swap3A_64], %add3A_62 {strides = array<i32>} : memref<1x128xf32, #tpu.memory_space<vmem>>, vector<1x128xf32>,
    } else {
    }
    return
  }
  func.func @transform_0(%arg0: i32) -> (i32, i32) {
    %c0_i32 = arith.constant 0 : i32
    %c0_i32_0 = arith.constant 0 : i32
    return %arg0, %c0_i32 : i32, i32
  }
  func.func @transform_1(%arg0: i32) -> (i32, i32) {
    %c0_i32 = arith.constant 0 : i32
    %c0_i32_0 = arith.constant 0 : i32
    return %c0_i32, %arg0 : i32, i32
  }
  func.func @transform_2(%arg0: i32) -> (i32, i32) {
    %c0_i32 = arith.constant 0 : i32
    %c0_i32_0 = arith.constant 0 : i32
    return %c0_i32, %arg0 : i32, i32
  }
  func.func @transform_3(%arg0: i32) -> (i32, i32) {
    %c0_i32 = arith.constant 0 : i32
    %c0_i32_0 = arith.constant 0 : i32
    %c0_i32_1 = arith.constant 0 : i32
    return %c0_i32, %c0_i32_0 : i32, i32
  }
  func.func @transform_4(%arg0: i32) -> (i32, i32) {
    %c0_i32 = arith.constant 0 : i32
    %c0_i32_0 = arith.constant 0 : i32
    %c0_i32_1 = arith.constant 0 : i32
    return %c0_i32, %c0_i32_0 : i32, i32
  }
  func.func @transform_5(%arg0: i32) -> (i32, i32) {
    %c0_i32 = arith.constant 0 : i32
    %c0_i32_0 = arith.constant 0 : i32
    %c0_i32_1 = arith.constant 0 : i32
    return %c0_i32, %c0_i32_0 : i32, i32
  }
  func.func @transform_6(%arg0: i32) -> (i32, i32) {
    %c0_i32 = arith.constant 0 : i32
    %c0_i32_0 = arith.constant 0 : i32
    %c0_i32_1 = arith.constant 0 : i32
    return %c0_i32, %c0_i32_0 : i32, i32
  }
  func.func @transform_7(%arg0: i32) -> (i32, i32) {
    %c0_i32 = arith.constant 0 : i32
    %c0_i32_0 = arith.constant 0 : i32
    %c0_i32_1 = arith.constant 0 : i32
    return %c0_i32, %c0_i32_0 : i32, i32
  }
}

</mosaic_0001>

<sc_bundles>
// kernel: kernel.6.cloned.1.call-start
scs
__scs_entry_jumppad:
0x0: {  	(pc) =	sbr.rel $0x88, $3  }
0x1: {  	(tag) =	ssettag $0x0;
	lr =	simm.s32 $0x1  }
0x2: {  	[smem:$0x3F9B] =	sst lr;
	_ =	strace $0xD0000000  }
0x3: {  	_ = 	snop  }
0x4: {  	_ = 	snop  }
0x5: {  	_ = 	snop  }
0x6: {  	_ = 	snop  }
0x7: {  	_ = 	snop  }
__scs_overlays_trampoline_lowered:
0x8: {  	[smem:$0x3FAA] =	sst s0  }
0x9: {  	[smem:$0x3FAB] =	sst s1  }
0xa: {  	[smem:$0x3FAC] =	sst s2  }
0xb: {  	[smem:$0x3FAD] =	sst s3  }
0xc: {  	[smem:$0x3FAE] =	sst s4  }
0xd: {  	[smem:$0x3FAF] =	sst s5  }
0xe: {  	[smem:$0x3FB0] =	sst s6  }
0xf: {  	[smem:$0x3FB1] =	sst s7  }
0x10: {  	[smem:$0x3FB2] =	sst s8  }
0x11: {  	[smem:$0x3FB3] =	sst s9;
	s0 =	simm.s32 @!p0 $0x0  }
0x12: {  	s1 =	sld [smem:$0x3F99];
	s0 =	simm.s32 @p0 $0x1  }
0x13: {  	[smem:$0x3FB4] =	sst s0;
	s0 =	simm.s32 @!p1 $0x0  }
0x14: {  	s2 =	sld [smem:$0x3F98];
	s0 =	simm.s32 @p1 $0x1  }
0x15: {  	[smem:$0x3FB5] =	sst s0;
	s0 =	simm.s32 @!p2 $0x0  }
0x16: {  	s3 =	sld [smem:$0x3FDB];
	s0 =	simm.s32 @p2 $0x1  }
0x17: {  	s4 =	simm.s32 $0x1BF5;
	[smem:$0x3FB7] =	sst s0  }
0x18: {  	s0 =	sld [smem:$0x3F9A];
	_ =	swait.ge [sflag:s4], $0x0  }
0x19: {  	s7 =	sld [smem:$0x3F9B]  }
0x1a: {  	s8 =	sadd.s32 $0xFFFFE003, lr  }
0x1b: {  	s9 =	sadd.s32 $0xFFFFFEF7, lr;
	s5 =	simm.s32 $0xFFFFFFFF;
	p2 =	slt.u32 s8, $0xFFFFF086  }
0x1c: {  	p1 =	slt.u32 s9, $0xF7A;
	s5 =	simm.s32 @!p2 $0x0  }
0x1d: {  	s5 =	simm.s32 @p1 $0x1;
	p0 =	seq.s32 s7, s2  }
0x1e: {  	s7 =	smul.u32 @!p0 $0xF7A, s2;
	p2 =	seq.s32 @!p0 s5, $0x0  }
0x1f: {  	s9 =	smul.u32 $0xF7A, s1;
	s8 =	simm.s32 @!p0 $0x1BF5;
	p2 =	por !p2, p0  }
0x20: {  	[sflag:s8] =	ssyncset.s32 @!p0 $0xFFFFF086;
	s6 =	sadd.s32 @!p0 s3, s7;
	s7 =	simm.s32 @!p0 $0x108  }
0x21: {  	s3 =	sadd.s32 s3, s9;
	s6 =	sadd.s32 @!p0 $0x88, s6;
	s7 =	simm.s32 @p2 $0x1082  }
0x22: {  	[simem:s7], [sflag:s8] =	dma.local @!p0 [hbm:s6], $0xF7A  }
0x23: {  	s9 =	sor.u32 $0xD0000000, s2;
	s6 =	simm.s32 $0x108;
	_ =	swait.ge @!p0 [sflag:s8], $0x0  }
0x24: {  	s3 =	sadd.s32 $0x88, s3;
	s6 =	simm.s32 @!p1 $0x1082;
	[sflag:s4] =	ssyncset.s32 $0xFFFFF086  }
0x25: {  	[simem:s6], [sflag:s4] =	dma.local [hbm:s3], $0xF7A  }
0x26: {  	[smem:$0x3F9B] =	sst s1;
	(tag) =	ssettag s2;
	_ =	strace s9  }
0x27: {  	s1 =	sld [smem:$0x3FAB]  }
0x28: {  	s2 =	sld [smem:$0x3FAC]  }
0x29: {  	s4 =	sld [smem:$0x3FAE]  }
0x2a: {  	p0 =	seq.s32 s5, $0x0;
	s5 =	sld [smem:$0x3FAF]  }
0x2b: {  	s6 =	sld [smem:$0x3FB0]  }
0x2c: {  	s7 =	sld [smem:$0x3FB1]  }
0x2d: {  	s3 =	simm.s32 $0x108;
	s8 =	sld [smem:$0x3FB2]  }
0x2e: {  	s3 =	simm.s32 @!p0 $0x1082;
	s9 =	sld [smem:$0x3FB3]  }
0x2f: {  	lr =	sadd.s32 s0, s3;
	s0 =	sld [smem:$0x3FAA]  }
0x30: {  	s3 =	sld [smem:$0x3FAD]  }
0x31: {  	[smem:$0x3FB6] =	sst s10  }
0x32: {  	s10 =	sld [smem:$0x3FB4];
	_ =	sdelay $0x3  }
0x33: {  	p0 =	seq.s32 s10, $0x1;
	s10 =	sld [smem:$0x3FB6];
	_ =	sdelay $0x3  }
0x34: {  	[smem:$0x3FB6] =	sst s10  }
0x35: {  	s10 =	sld [smem:$0x3FB5];
	_ =	sdelay $0x3  }
0x36: {  	p1 =	seq.s32 s10, $0x1;
	s10 =	sld [smem:$0x3FB6];
	_ =	sdelay $0x3  }
0x37: {  	[smem:$0x3FB6] =	sst s10  }
0x38: {  	s10 =	sld [smem:$0x3FB7]  }
0x39: {  	_ = 	snop;
	(pc) =	sbr.ind lr, $3  }
0x3a: {  	_ = 	snop  }
0x3b: {  	_ = 	snop  }
0x3c: {  	p2 =	seq.s32 s10, $0x1;
	s10 =	sld [smem:$0x3FB6]  }
0x3d: {  	_ =	shalt  }
0x3e: {  	_ =	shalt  }
0x3f: {  	_ =	shalt  }
0x40: {  	_ =	shalt  }
0x41: {  	_ =	shalt  }
0x42: {  	_ =	shalt  }
0x43: {  	_ =	shalt  }
0x44: {  	_ =	shalt  }
0x45: {  	_ =	shalt  }
0x46: {  	_ =	shalt  }
0x47: {  	_ =	shalt  }
0x48: {  	_ =	shalt  }
0x49: {  	_ =	shalt  }
0x4a: {  	_ =	shalt  }
0x4b: {  	_ =	shalt  }
0x4c: {  	_ =	shalt  }
0x4d: {  	_ =	shalt  }
0x4e: {  	_ =	shalt  }
0x4f: {  	_ =	shalt  }
0x50: {  	_ =	shalt  }
0x51: {  	_ =	shalt  }
0x52: {  	_ =	shalt  }
0x53: {  	_ =	shalt  }
0x54: {  	_ =	shalt  }
0x55: {  	_ =	shalt  }
0x56: {  	_ =	shalt  }
0x57: {  	_ =	shalt  }
0x58: {  	_ =	shalt  }
0x59: {  	_ =	shalt  }
0x5a: {  	_ =	shalt  }
0x5b: {  	_ =	shalt  }
0x5c: {  	_ =	shalt  }
0x5d: {  	_ =	shalt  }
0x5e: {  	_ =	shalt  }
0x5f: {  	_ =	shalt  }
0x60: {  	_ =	shalt  }
0x61: {  	_ =	shalt  }
0x62: {  	_ =	shalt  }
0x63: {  	_ =	shalt  }
0x64: {  	_ =	shalt  }
0x65: {  	_ =	shalt  }
0x66: {  	_ =	shalt  }
0x67: {  	_ =	shalt  }
0x68: {  	_ =	shalt  }
0x69: {  	_ =	shalt  }
0x6a: {  	_ =	shalt  }
0x6b: {  	_ =	shalt  }
0x6c: {  	_ =	shalt  }
0x6d: {  	_ =	shalt  }
0x6e: {  	_ =	shalt  }
0x6f: {  	_ =	shalt  }
0x70: {  	_ =	shalt  }
0x71: {  	_ =	shalt  }
0x72: {  	_ =	shalt  }
0x73: {  	_ =	shalt  }
0x74: {  	_ =	shalt  }
0x75: {  	_ =	shalt  }
0x76: {  	_ =	shalt  }
0x77: {  	_ =	shalt  }
0x78: {  	_ =	shalt  }
0x79: {  	_ =	shalt  }
0x7a: {  	_ =	shalt  }
0x7b: {  	_ =	shalt  }
0x7c: {  	_ =	shalt  }
0x7d: {  	_ =	shalt  }
0x7e: {  	_ =	shalt  }
0x7f: {  	_ =	shalt  }
0x80: {  	_ =	shalt  }
0x81: {  	_ =	shalt  }
0x82: {  	_ =	shalt  }
0x83: {  	_ =	shalt  }
0x84: {  	_ =	shalt  }
0x85: {  	_ =	shalt  }
0x86: {  	_ =	shalt  }
0x87: {  	_ =	shalt  }
.Lfunc_end0:
.L_simem_size_0:
called_computation_lowered:
.L_overlay_start_0:
0x88: {  	s2 =	sld [smem:$0x3FD9]  }
0x89: {  	s3 =	sld [smem:$0x3FFE];
	_ =	sdelay $0x1  }
0x8a: {  	s1 =	srdreg.scid  }
0x8b: {  	s0 =	sand.u32 $0x1, s1  }
0x8c: {  	s16 =	sshll.u32 s0, $0xA;
	s2 =	sadd.s32 s3, s2  }
0x8d: {  	s2 =	sadd.s32 s2, s16  }
0x8e: {  	[smem:$0x3FC2] =	sst s2  }
0x8f: {  	_ = 	snop  }
0x90: {  	(tm) =	ssettm $0x1  }
0x91: {  	s17 =	sld [smem:$0x3FFB];
	_ =	sdelay $0x3  }
0x92: {  	_ =	strace s17  }
0x93: {  	s2 =	sld [smem:$0x3FFC];
	_ =	sdelay $0x3  }
0x94: {  	_ =	strace s2  }
0x95: {  	s2 =	sld [smem:$0x3FFD];
	_ =	sdelay $0x3  }
0x96: {  	_ =	strace s2  }
0x97: {  	_ =	strace $0x8FFFFFFF  }
0x98: {  	s18 =	sld [smem:$0x3FDB];
	_ =	sdelay $0x1  }
0x99: {  	s19 =	simm.s32 $_scs_section_size  }
0x9a: {  	s4 =	simm.s32 $_size__tile_overlayer_lowered;
	s5 =	simm.s32 $_tile_overlayer_lowered  }
0x9b: {  	s22 =	simm.s32 $0x1BFF;
	s21 =	sshll.u32 s5, $0x1;
	s2 =	sadd.s32 s19, s18  }
0x9c: {  	s6 =	simm.s32 $0x0;
	s20 =	sshll.u32 s4, $0x1;
	s4 =	sadd.s32 s21, s2  }
0x9d: {  	[timem:s6], [sflag:s22] =	dma.local [hbm:s4], s20  }
0x9e: {  	_ =	swait.ge [sflag:s22], s20  }
0x9f: {  	s3 =	ssub.s32 $0x0, s20;
	[sflag:s22] =	ssyncset.done $0x0  }
0xa0: {  	[sflag:s22] =	ssyncadd.s32 s3;
	_ =	sdelay $0x1  }
0xa1: {  	s23 =	simm.s32 $0x1B8B  }
0xa2: {  	_ =	swait.ge [sflag:s23], $0x1  }
0xa3: {  	[sflag:s23] =	ssyncset.done $0x0  }
0xa4: {  	s25 =	simm.s32 $0x1B8E;
	s24 =	sld [smem:$0x3FFE];
	[sflag:s23] =	ssyncadd.s32 $0xFFFFFFFF  }
0xa5: {  	s26 =	simm.s32 $execute0_lowered;
	[smem:$0x3FD2] =	sst s25  }
0xa6: {  	s4 =	sshll.u32 s26, $0x1;
	_ =	strace $0x80000046;
	[dreg:$0x1] =	wrdreg $0xFFFFFFFF  }
0xa7: {  	s28 =	simm.s32 $_size_execute0_lowered;
	s2 =	sadd.s32 s2, s4;
	[dreg:$0x0] =	wrdreg $0x0  }
0xa8: {  	s4 =	sshll.u32 s28, $0x1;
	[dreg:$0x2] =	wrdreg s2  }
0xa9: {  	[dreg:$0x3] =	wrdreg s4  }
0xaa: {  	[dreg:$0x4] =	wrdreg $0xC0  }
0xab: {  	_ =	task [dreg:s6], $0x5FFFF  }
0xac: {  	[dreg:$0x1] =	wrdreg $0xFFFFFFFF  }
0xad: {  	[dreg:$0x0] =	wrdreg $0x60  }
0xae: {  	[dreg:$0x2] =	wrdreg s24  }
0xaf: {  	[dreg:$0x3] =	wrdreg $0x53000  }
0xb0: {  	[dreg:$0x4] =	wrdreg $0x55800  }
0xb1: {  	[dreg:$0x5] =	wrdreg $0x9  }
0xb2: {  	_ =	task.clear_ibuf [dreg:s6], $0x6FFFF;
	_ =	strace $0x90000046  }
0xb3: {  	s29 =	simm.s32 $0x9;
	_ =	strace $0x80000048  }
0xb4: {  	_ =	swait.ge [sflag:s29], $0x1  }
0xb5: {  	[sflag:s29] =	ssyncadd.s32 $0xFFFFFFFF  }
0xb6: {  	_ =	strace $0x90000048  }
0xb7: {  	_ =	sfence  }
0xb8: {  	s30 =	sld [smem:$0x0];
	_ =	sdelay $0x2  }
0xb9: {  	s31 =	sshll.u32 s1, $0xD;
	s1 =	sshrl.u32 s1, $0x2  }
0xba: {  	s3 =	sand.u32 $0x4000, s31;
	s1 =	sadd.s32 s1, s30  }
0xbb: {  	s0 =	sor.u32 s3, s0;
	s1 =	sshll.u32 s1, $0x11  }
0xbc: {  	s0 =	sor.u32 s1, s0  }
0xbd: {  	s0 =	sadd.s32 $0x8F2B, s0  }
0xbe: {  	[sflag:s0] =	ssyncadd.remote.s32 $0x1  }
0xbf: {  	_ =	sfence.sel $0xFFFF  }
0xc0: {  	[dreg:$0x0] =	wrdreg $0xFFFFFFFF;
	(pc) =	sbr.abs _section_cstart, $3  }
0xc1: {  	[dreg:$0x1] =	wrdreg $0xFFFFFFFF  }
0xc2: {  	_ =	task.clear_ibuf [dreg:s6], $0x2FFFF;
	_ =	strace $0x9FFFFFFF  }
0xc3: {  	(tm) =	ssettm $0x7FFFFFFF  }
tec
execute0_lowered:
.L_overlay_start_1:
0x0: {  	(tag) =	ssettag $0x1  }
0x1: {  	s5 =	rddreg [dreg:$0x0]  }
0x2: {  	s2 =	rddreg [dreg:$0x1]  }
0x3: {  	s3 =	rddreg [dreg:$0x2];
	s4 =	srdreg.scid  }
0x4: {  	s1 =	stileid.u32;
	s0 =	rddreg [dreg:$0x3];
	s13 =	simm.s32 $0x2800  }
0x5: {  	s14 =	simm.s32 $0x5080;
	s15 =	simm.s32 $0x7D;
	s16 =	simm.s32 $0x5000  }
0x6: {  	s17 =	simm.s32 $0x1;
	s21 =	simm.s32 $0x0;
	s6 =	sand.u32 $0x1, s4  }
0x7: {  	s8 =	smul.u32 $0x280, s1;
	s4 =	simm.s32 $0x0;
	s7 =	sshll.u32 s6, $0x4  }
0x8: {  	s18 =	sshll.u32 s1, $0x6;
	s9 =	smul.u32 $0x5000, s6;
	s7 =	sor.u32 s1, s7  }
0x9: {  	[smem:$0x7FF] =	sst s4;
	s6 =	ssub.s32 $0x2, s6;
	s7 =	smul.u32 $0x500, s7  }
0xa: {  	s18 =	sor.u32 $0x1C02, s18;
	_ =	strace $0x80000047;
	s9 =	sadd.s32 s8, s9  }
0xb: {  	s10 =	sshrl.u32 s6, $0x1;
	s9 =	sshrl.u32 s9, $0x3;
	s7 =	sadd.s32 s7, s5  }
0xc: {  	s12 =	ssub.s32 s6, s10;
	s11 =	sadd.s32 s9, s5;
	s5 =	sadd.s32 $0xB600, s7  }
0xd: {  	s6 =	sadd.s32 $0x1600, s7;
	s7 =	sadd.s32 s8, s2;
	s8 =	sadd.s32 s8, s3  }
0xe: {  	s9 =	sadd.s32 $0x15600, s11;
	s10 =	sadd.s32 $0x15B00, s11;
	s11 =	smax.u32 s12, $0x1  }
0xf: {  	v0 =	vimm.f32 $1.000000000e+00;
	v1 =	vimm.f32 $0.0e+00;
	s12 =	simm.s32 $0x2;
	s19 =	sshrl.u32 s7, $0x3;
	s20 =	sshrl.u32 s8, $0x3  }
.LBB2_1:
0x10: {  	[tilespmem:s4], [sflag:$0x2] =	stream.linear.gather [hbm4b:s5+s4], $0x2800, $0x38;
	[tilespmem:$0x5800] =	vst v63  }
0x11: {  	_ =	swait.ge [sflag:s12], $0x2800  }
0x12: {  	[sflag:s12] =	ssyncset.done $0x0  }
0x13: {  	[sflag:s12] =	ssyncadd.s32 $0xFFFFD800  }
0x14: {  	[tilespmem:s13], [sflag:$0x2] =	stream.linear.gather [hbm4b:s6+s4], $0x2800, $0x38;
	[tilespmem:$0x5800] =	vst v63  }
0x15: {  	_ =	swait.ge [sflag:s12], $0x2800  }
0x16: {  	[sflag:s12] =	ssyncset.done $0x0  }
0x17: {  	[sflag:s12] =	ssyncadd.s32 $0xFFFFD800  }
0x18: {  	[tilespmem:$0x5000] =	vst v0  }
0x19: {  	[tilespmem:$0x5010] =	vst v0  }
0x1a: {  	[tilespmem:$0x5020] =	vst v0  }
0x1b: {  	[tilespmem:$0x5030] =	vst v0  }
0x1c: {  	[tilespmem:$0x5040] =	vst v0  }
0x1d: {  	[tilespmem:$0x5050] =	vst v0  }
0x1e: {  	[tilespmem:$0x5060] =	vst v0  }
0x1f: {  	[tilespmem:$0x5070] =	vst v0  }
0x20: {  	[tilespmem:$0x5080] =	vst v1  }
0x21: {  	[tilespmem:$0x5090] =	vst v1  }
0x22: {  	[tilespmem:$0x50A0] =	vst v1  }
0x23: {  	[tilespmem:$0x50B0] =	vst v1  }
0x24: {  	[tilespmem:$0x50C0] =	vst v1  }
0x25: {  	[tilespmem:$0x50D0] =	vst v1  }
0x26: {  	[tilespmem:$0x50E0] =	vst v1  }
0x27: {  	[tilespmem:$0x50F0] =	vst v1  }
0x28: {  	[tilespmem:$0x5100] =	vst v1  }
0x29: {  	[tilespmem:$0x5110] =	vst v1  }
0x2a: {  	[tilespmem:$0x5120] =	vst v1  }
0x2b: {  	[tilespmem:$0x5130] =	vst v1  }
0x2c: {  	[tilespmem:$0x5140] =	vst v1  }
0x2d: {  	[tilespmem:$0x5150] =	vst v1  }
0x2e: {  	[tilespmem:$0x5160] =	vst v1  }
0x2f: {  	[tilespmem:$0x5170] =	vst v1  }
0x30: {  	[tilespmem:$0x5180] =	vst v1  }
0x31: {  	[tilespmem:$0x5190] =	vst v1  }
0x32: {  	[tilespmem:$0x51A0] =	vst v1  }
0x33: {  	[tilespmem:$0x51B0] =	vst v1  }
0x34: {  	[tilespmem:$0x51C0] =	vst v1  }
0x35: {  	[tilespmem:$0x51D0] =	vst v1  }
0x36: {  	[tilespmem:$0x51E0] =	vst v1  }
0x37: {  	[tilespmem:$0x51F0] =	vst v1  }
0x38: {  	[tilespmem:$0x5200] =	vst v1  }
0x39: {  	[tilespmem:$0x5210] =	vst v1  }
0x3a: {  	[tilespmem:$0x5220] =	vst v1  }
0x3b: {  	[tilespmem:$0x5230] =	vst v1  }
0x3c: {  	[tilespmem:$0x5240] =	vst v1  }
0x3d: {  	[tilespmem:$0x5250] =	vst v1  }
0x3e: {  	[tilespmem:$0x5260] =	vst v1  }
0x3f: {  	[tilespmem:$0x5270] =	vst v1  }
0x40: {  	[tilespmem:$0x5280] =	vst v1  }
0x41: {  	[tilespmem:$0x5290] =	vst v1  }
0x42: {  	[tilespmem:$0x52A0] =	vst v1  }
0x43: {  	[tilespmem:$0x52B0] =	vst v1  }
0x44: {  	[tilespmem:$0x52C0] =	vst v1  }
0x45: {  	[tilespmem:$0x52D0] =	vst v1  }
0x46: {  	[tilespmem:$0x52E0] =	vst v1  }
0x47: {  	[tilespmem:$0x52F0] =	vst v1  }
0x48: {  	[spmem:s7] =	stream.linear.scatter [tilespmem:s14], [sflag:$0x2], $0x280, $0x38;
	[tilespmem:$0x5800] =	vst v63  }
0x49: {  	_ =	swait.ge [sflag:s12], $0x280  }
0x4a: {  	[sflag:s12] =	ssyncset.done $0x0  }
0x4b: {  	[sflag:s12] =	ssyncadd.s32 $0xFFFFFD80  }
0x4c: {  	[spmem:s8] =	stream.linear.scatter [tilespmem:s14], [sflag:$0x2], $0x280, $0x38;
	[tilespmem:$0x5800] =	vst v63  }
0x4d: {  	_ =	swait.ge [sflag:s12], $0x280  }
0x4e: {  	[sflag:s12] =	ssyncset.done $0x0  }
0x4f: {  	[sflag:s12] =	ssyncadd.s32 $0xFFFFFD80  }
0x50: {  	s22 =	simm.s32 $0x0;
	[bflag:$0x0] =	sbarrier.arrive $0xFFFF  }
0x51: {  	[spmem:s2] =	stream.indirect.scatter.add.f32 [tilespmem:s16], [sflag:$0x1], $0x1, s22, s15, $0xb8;
	[tilespmem:$0x5800] =	vst v63  }
0x52: {  	s24 =	simm.s32 $0x2800  }
0x53: {  	[spmem:s3] =	stream.indirect.scatter.add.f32 [tilespmem:s16], [sflag:$0x1], $0x1, s24, s15, $0xb8;
	[tilespmem:$0x5800] =	vst v63  }
0x54: {  	s25 =	simm.s32 $0x80  }
0x55: {  	[spmem:s2] =	stream.indirect.scatter.add.f32 [tilespmem:s16], [sflag:$0x1], $0x1, s25, s15, $0xb8;
	[tilespmem:$0x5800] =	vst v63  }
0x56: {  	s26 =	simm.s32 $0x2880  }
0x57: {  	[spmem:s3] =	stream.indirect.scatter.add.f32 [tilespmem:s16], [sflag:$0x1], $0x1, s26, s15, $0xb8;
	[tilespmem:$0x5800] =	vst v63  }
0x58: {  	s28 =	simm.s32 $0x100  }
0x59: {  	[spmem:s2] =	stream.indirect.scatter.add.f32 [tilespmem:s16], [sflag:$0x1], $0x1, s28, s15, $0xb8;
	[tilespmem:$0x5800] =	vst v63  }
0x5a: {  	s29 =	simm.s32 $0x2900  }
0x5b: {  	[spmem:s3] =	stream.indirect.scatter.add.f32 [tilespmem:s16], [sflag:$0x1], $0x1, s29, s15, $0xb8;
	[tilespmem:$0x5800] =	vst v63  }
0x5c: {  	s30 =	simm.s32 $0x180  }
0x5d: {  	[spmem:s2] =	stream.indirect.scatter.add.f32 [tilespmem:s16], [sflag:$0x1], $0x1, s30, s15, $0xb8;
	[tilespmem:$0x5800] =	vst v63  }
0x5e: {  	s31 =	simm.s32 $0x2980  }
0x5f: {  	[spmem:s3] =	stream.indirect.scatter.add.f32 [tilespmem:s16], [sflag:$0x1], $0x1, s31, s15, $0xb8;
	[tilespmem:$0x5800] =	vst v63  }
0x60: {  	_ =	swait.ge [sflag:s17], $0x7D  }
0x61: {  	[sflag:s17] =	ssyncset.done $0x0  }
0x62: {  	[sflag:s17] =	ssyncadd.s32 $0xFFFFFF83  }
0x63: {  	_ =	swait.ge [sflag:s17], $0x7D  }
0x64: {  	[sflag:s17] =	ssyncset.done $0x0  }
0x65: {  	[sflag:s17] =	ssyncadd.s32 $0xFFFFFF83  }
0x66: {  	_ =	swait.ge [sflag:s17], $0x7D  }
0x67: {  	[sflag:s17] =	ssyncset.done $0x0  }
0x68: {  	[sflag:s17] =	ssyncadd.s32 $0xFFFFFF83  }
0x69: {  	_ =	swait.ge [sflag:s17], $0x7D  }
0x6a: {  	[sflag:s17] =	ssyncset.done $0x0  }
0x6b: {  	[sflag:s17] =	ssyncadd.s32 $0xFFFFFF83  }
0x6c: {  	_ =	swait.ge [sflag:s17], $0x7D  }
0x6d: {  	[sflag:s17] =	ssyncset.done $0x0  }
0x6e: {  	[sflag:s17] =	ssyncadd.s32 $0xFFFFFF83  }
0x6f: {  	_ =	swait.ge [sflag:s17], $0x7D  }
0x70: {  	[sflag:s17] =	ssyncset.done $0x0  }
0x71: {  	[sflag:s17] =	ssyncadd.s32 $0xFFFFFF83  }
0x72: {  	_ =	swait.ge [sflag:s17], $0x7D  }
0x73: {  	[sflag:s17] =	ssyncset.done $0x0  }
0x74: {  	[sflag:s17] =	ssyncadd.s32 $0xFFFFFF83  }
0x75: {  	_ =	swait.ge [sflag:s17], $0x7D  }
0x76: {  	s22 =	simm.s32 $0x800;
	s24 =	simm.s32 $0x1000;
	[sflag:s17] =	ssyncset.done $0x0  }
.LBB2_2:
0x77: {  	s25 =	sshra.s32 s22, $0x2  }
0x78: {  	[sflag:s17] =	ssyncadd.s32 $0xFFFFFF83;
	s22 =	smov.u32 s24;
	s23 =	sadd.s32 $0x800, s24  }
0x79: {  	[spmem:s2] =	stream.indirect.scatter.add.f32 [tilespmem:s16], [sflag:$0x1], $0x1, s25, s15, $0xb8;
	[tilespmem:$0x5800] =	vst v63  }
0x7a: {  	p0 =	sne.s32 s24, $0x9800;
	s24 =	sadd.s32 $0x2800, s25  }
0x7b: {  	[spmem:s3] =	stream.indirect.scatter.add.f32 [tilespmem:s16], [sflag:$0x1], $0x1, s24, s15, $0xb8;
	[tilespmem:$0x5800] =	vst v63  }
0x7c: {  	s24 =	sadd.s32 $0x80, s25  }
0x7d: {  	[spmem:s2] =	stream.indirect.scatter.add.f32 [tilespmem:s16], [sflag:$0x1], $0x1, s24, s15, $0xb8;
	[tilespmem:$0x5800] =	vst v63  }
0x7e: {  	s24 =	sadd.s32 $0x2880, s25  }
0x7f: {  	[spmem:s3] =	stream.indirect.scatter.add.f32 [tilespmem:s16], [sflag:$0x1], $0x1, s24, s15, $0xb8;
	[tilespmem:$0x5800] =	vst v63  }
0x80: {  	s24 =	sadd.s32 $0x100, s25  }
0x81: {  	[spmem:s2] =	stream.indirect.scatter.add.f32 [tilespmem:s16], [sflag:$0x1], $0x1, s24, s15, $0xb8;
	[tilespmem:$0x5800] =	vst v63  }
0x82: {  	s24 =	sadd.s32 $0x2900, s25  }
0x83: {  	[spmem:s3] =	stream.indirect.scatter.add.f32 [tilespmem:s16], [sflag:$0x1], $0x1, s24, s15, $0xb8;
	[tilespmem:$0x5800] =	vst v63  }
0x84: {  	s24 =	sadd.s32 $0x180, s25  }
0x85: {  	[spmem:s2] =	stream.indirect.scatter.add.f32 [tilespmem:s16], [sflag:$0x1], $0x1, s24, s15, $0xb8;
	[tilespmem:$0x5800] =	vst v63  }
0x86: {  	s24 =	sadd.s32 $0x2980, s25  }
0x87: {  	[spmem:s3] =	stream.indirect.scatter.add.f32 [tilespmem:s16], [sflag:$0x1], $0x1, s24, s15, $0xb8;
	[tilespmem:$0x5800] =	vst v63  }
0x88: {  	_ =	swait.ge [sflag:s17], $0x7D  }
0x89: {  	[sflag:s17] =	ssyncset.done $0x0  }
0x8a: {  	[sflag:s17] =	ssyncadd.s32 $0xFFFFFF83  }
0x8b: {  	_ =	swait.ge [sflag:s17], $0x7D  }
0x8c: {  	[sflag:s17] =	ssyncset.done $0x0  }
0x8d: {  	[sflag:s17] =	ssyncadd.s32 $0xFFFFFF83  }
0x8e: {  	_ =	swait.ge [sflag:s17], $0x7D  }
0x8f: {  	[sflag:s17] =	ssyncset.done $0x0  }
0x90: {  	[sflag:s17] =	ssyncadd.s32 $0xFFFFFF83  }
0x91: {  	_ =	swait.ge [sflag:s17], $0x7D  }
0x92: {  	[sflag:s17] =	ssyncset.done $0x0  }
0x93: {  	[sflag:s17] =	ssyncadd.s32 $0xFFFFFF83  }
0x94: {  	_ =	swait.ge [sflag:s17], $0x7D  }
0x95: {  	[sflag:s17] =	ssyncset.done $0x0  }
0x96: {  	[sflag:s17] =	ssyncadd.s32 $0xFFFFFF83  }
0x97: {  	_ =	swait.ge [sflag:s17], $0x7D  }
0x98: {  	[sflag:s17] =	ssyncset.done $0x0  }
0x99: {  	[sflag:s17] =	ssyncadd.s32 $0xFFFFFF83  }
.Ltmp0:
0x9a: {  	_ =	swait.ge [sflag:s17], $0x7D;
	(pc) =	sbr.rel @p0 .LBB2_2-.Ltmp0, $4  }
0x9b: {  	[sflag:s17] =	ssyncset.done $0x0  }
0x9c: {  	[sflag:s17] =	ssyncadd.s32 $0xFFFFFF83  }
0x9d: {  	_ =	swait.ge [sflag:s17], $0x7D  }
0x9e: {  	s24 =	smov.u32 s23;
	[sflag:s17] =	ssyncset.done $0x0  }
0x9f: {  	s22 =	sshra.s32 s22, $0x2;
	[sflag:s17] =	ssyncadd.s32 $0xFFFFFF83  }
0xa0: {  	[spmem:s2] =	stream.indirect.scatter.add.f32 [tilespmem:s16], [sflag:$0x1], $0x1, s22, s15, $0xb8;
	[tilespmem:$0x5800] =	vst v63  }
0xa1: {  	s23 =	sadd.s32 $0x2800, s22  }
0xa2: {  	[spmem:s3] =	stream.indirect.scatter.add.f32 [tilespmem:s16], [sflag:$0x1], $0x1, s23, s15, $0xb8;
	[tilespmem:$0x5800] =	vst v63  }
0xa3: {  	s26 =	sadd.s32 $0x80, s22  }
0xa4: {  	[spmem:s2] =	stream.indirect.scatter.add.f32 [tilespmem:s16], [sflag:$0x1], $0x1, s26, s15, $0xb8;
	[tilespmem:$0x5800] =	vst v63  }
0xa5: {  	s28 =	sadd.s32 $0x2880, s22  }
0xa6: {  	[spmem:s3] =	stream.indirect.scatter.add.f32 [tilespmem:s16], [sflag:$0x1], $0x1, s28, s15, $0xb8;
	[tilespmem:$0x5800] =	vst v63  }
0xa7: {  	s29 =	sadd.s32 $0x100, s22  }
0xa8: {  	[spmem:s2] =	stream.indirect.scatter.add.f32 [tilespmem:s16], [sflag:$0x1], $0x1, s29, s15, $0xb8;
	[tilespmem:$0x5800] =	vst v63  }
0xa9: {  	s30 =	sadd.s32 $0x2900, s22  }
0xaa: {  	[spmem:s3] =	stream.indirect.scatter.add.f32 [tilespmem:s16], [sflag:$0x1], $0x1, s30, s15, $0xb8;
	[tilespmem:$0x5800] =	vst v63  }
0xab: {  	s31 =	sadd.s32 $0x180, s22  }
0xac: {  	[spmem:s2] =	stream.indirect.scatter.add.f32 [tilespmem:s16], [sflag:$0x1], $0x1, s31, s15, $0xb8;
	[tilespmem:$0x5800] =	vst v63  }
0xad: {  	s22 =	sadd.s32 $0x2980, s22  }
0xae: {  	[spmem:s3] =	stream.indirect.scatter.add.f32 [tilespmem:s16], [sflag:$0x1], $0x1, s22, s15, $0xb8;
	[tilespmem:$0x5800] =	vst v63  }
0xaf: {  	_ =	swait.ge [sflag:s17], $0x7D  }
0xb0: {  	[sflag:s17] =	ssyncset.done $0x0  }
0xb1: {  	[sflag:s17] =	ssyncadd.s32 $0xFFFFFF83  }
0xb2: {  	_ =	swait.ge [sflag:s17], $0x7D  }
0xb3: {  	[sflag:s17] =	ssyncset.done $0x0  }
0xb4: {  	[sflag:s17] =	ssyncadd.s32 $0xFFFFFF83  }
0xb5: {  	_ =	swait.ge [sflag:s17], $0x7D  }
0xb6: {  	[sflag:s17] =	ssyncset.done $0x0  }
0xb7: {  	[sflag:s17] =	ssyncadd.s32 $0xFFFFFF83  }
0xb8: {  	_ =	swait.ge [sflag:s17], $0x7D  }
0xb9: {  	[sflag:s17] =	ssyncset.done $0x0  }
0xba: {  	[sflag:s17] =	ssyncadd.s32 $0xFFFFFF83  }
0xbb: {  	_ =	swait.ge [sflag:s17], $0x7D  }
0xbc: {  	[sflag:s17] =	ssyncset.done $0x0  }
0xbd: {  	[sflag:s17] =	ssyncadd.s32 $0xFFFFFF83  }
0xbe: {  	_ =	swait.ge [sflag:s17], $0x7D  }
0xbf: {  	[sflag:s17] =	ssyncset.done $0x0  }
0xc0: {  	[sflag:s17] =	ssyncadd.s32 $0xFFFFFF83  }
0xc1: {  	_ =	swait.ge [sflag:s17], $0x7D  }
0xc2: {  	[sflag:s17] =	ssyncset.done $0x0  }
0xc3: {  	[sflag:s17] =	ssyncadd.s32 $0xFFFFFF83  }
0xc4: {  	_ =	swait.ge [sflag:s17], $0x7D  }
0xc5: {  	[sflag:s17] =	ssyncset.done $0x0  }
0xc6: {  	[sflag:s17] =	ssyncadd.s32 $0xFFFFFF83  }
0xc7: {  	[bflag:$0x0] =	sbarrier.arrive $0xFFFF  }
0xc8: {  	[hbm:s9], [sflag:s18] =	dma.local [spmem:s19], $0x50  }
0xc9: {  	s21 =	sadd.s32 $0x1, s21;
	_ =	swait.ge [sflag:s12], $0x50  }
0xca: {  	p0 =	sne.s32 s21, s11;
	[sflag:s12] =	ssyncset.done $0x0  }
.Ltmp1:
0xcb: {  	[sflag:s12] =	ssyncadd.s32 $0xFFFFFFB0;
	(pc) =	sbr.rel @p0 .LBB2_1-.Ltmp1, $4  }
0xcc: {  	[hbm:s10], [sflag:s18] =	dma.local [spmem:s20], $0x50  }
0xcd: {  	_ =	swait.ge [sflag:s12], $0x50  }
0xce: {  	[sflag:s12] =	ssyncset.done $0x0  }
0xcf: {  	[sflag:s12] =	ssyncadd.s32 $0xFFFFFFB0  }
0xd0: {  	_ =	sfence.sel $0x180000  }
0xd1: {  	[bflag:$0x0] =	sbarrier.arrive $0xFFFF  }
0xd2: {  	p0 =	sne.s32 s1, $0x0;
	_ =	strace $0x90000047  }
0xd3: {  	s0 =	sadd.s32 @!p0 $0x100000, s0;
	[bflag:$0x2] =	sbarrier.arrive $0xFFFF  }
0xd4: {  	[sflag:s0] =	ssyncadd.tile.s32 @!p0 $0x1;
	_ =	shalt  }
.Lfunc_end2:
_tile_overlayer_lowered:
.L_overlay_start_2:
0xd5: {  	(tag) =	ssettag $0x2  }
0xd6: {  	s0 =	rddreg [dreg:$0x0];
	s2 =	stileid.u32  }
0xd7: {  	s1 =	rddreg [dreg:$0x1];
	p0 =	sne.s32 s2, $0x0  }
0xd8: {  	s3 =	rddreg [dreg:$0x2];
	[bflag:$0x3] =	sbarrier.arrive $0xFFFF;
	s2 =	simm.s32 @!p0 $0x1C02  }
0xd9: {  	[timem:s3], [sflag:s2] =	dma.local @!p0 [hbm:s0], s1  }
0xda: {  	s0 =	simm.s32 @!p0 $0x2  }
0xdb: {  	_ =	swait.ge @!p0 [sflag:s0], s1  }
0xdc: {  	s1 =	ssub.s32 @!p0 $0x0, s1;
	[sflag:s0] =	ssyncset.done @!p0 $0x0  }
0xdd: {  	[sflag:s0] =	ssyncadd.s32 @!p0 s1  }
0xde: {  	[bflag:$0x3] =	sbarrier.arrive $0xFFFF  }
0xdf: {  	_ =	shalt  }

// kernel: kernel.9.cloned.1.call-start
scs
__scs_entry_jumppad:
0x0: {  	(pc) =	sbr.rel $0x88, $3  }
0x1: {  	(tag) =	ssettag $0x0;
	lr =	simm.s32 $0x1  }
0x2: {  	[smem:$0x3F9B] =	sst lr;
	_ =	strace $0xD0000000  }
0x3: {  	_ = 	snop  }
0x4: {  	_ = 	snop  }
0x5: {  	_ = 	snop  }
0x6: {  	_ = 	snop  }
0x7: {  	_ = 	snop  }
__scs_overlays_trampoline_lowered:
0x8: {  	[smem:$0x3FAA] =	sst s0  }
0x9: {  	[smem:$0x3FAB] =	sst s1  }
0xa: {  	[smem:$0x3FAC] =	sst s2  }
0xb: {  	[smem:$0x3FAD] =	sst s3  }
0xc: {  	[smem:$0x3FAE] =	sst s4  }
0xd: {  	[smem:$0x3FAF] =	sst s5  }
0xe: {  	[smem:$0x3FB0] =	sst s6  }
0xf: {  	[smem:$0x3FB1] =	sst s7  }
0x10: {  	[smem:$0x3FB2] =	sst s8  }
0x11: {  	[smem:$0x3FB3] =	sst s9;
	s0 =	simm.s32 @!p0 $0x0  }
0x12: {  	s1 =	sld [smem:$0x3F99];
	s0 =	simm.s32 @p0 $0x1  }
0x13: {  	[smem:$0x3FB4] =	sst s0;
	s0 =	simm.s32 @!p1 $0x0  }
0x14: {  	s2 =	sld [smem:$0x3F98];
	s0 =	simm.s32 @p1 $0x1  }
0x15: {  	[smem:$0x3FB5] =	sst s0;
	s0 =	simm.s32 @!p2 $0x0  }
0x16: {  	s3 =	sld [smem:$0x3FDB];
	s0 =	simm.s32 @p2 $0x1  }
0x17: {  	s4 =	simm.s32 $0x1BF5;
	[smem:$0x3FB7] =	sst s0  }
0x18: {  	s0 =	sld [smem:$0x3F9A];
	_ =	swait.ge [sflag:s4], $0x0  }
0x19: {  	s7 =	sld [smem:$0x3F9B]  }
0x1a: {  	s8 =	sadd.s32 $0xFFFFE003, lr  }
0x1b: {  	s9 =	sadd.s32 $0xFFFFFEF7, lr;
	s5 =	simm.s32 $0xFFFFFFFF;
	p2 =	slt.u32 s8, $0xFFFFF086  }
0x1c: {  	p1 =	slt.u32 s9, $0xF7A;
	s5 =	simm.s32 @!p2 $0x0  }
0x1d: {  	s5 =	simm.s32 @p1 $0x1;
	p0 =	seq.s32 s7, s2  }
0x1e: {  	s7 =	smul.u32 @!p0 $0xF7A, s2;
	p2 =	seq.s32 @!p0 s5, $0x0  }
0x1f: {  	s9 =	smul.u32 $0xF7A, s1;
	s8 =	simm.s32 @!p0 $0x1BF5;
	p2 =	por !p2, p0  }
0x20: {  	[sflag:s8] =	ssyncset.s32 @!p0 $0xFFFFF086;
	s6 =	sadd.s32 @!p0 s3, s7;
	s7 =	simm.s32 @!p0 $0x108  }
0x21: {  	s3 =	sadd.s32 s3, s9;
	s6 =	sadd.s32 @!p0 $0x88, s6;
	s7 =	simm.s32 @p2 $0x1082  }
0x22: {  	[simem:s7], [sflag:s8] =	dma.local @!p0 [hbm:s6], $0xF7A  }
0x23: {  	s9 =	sor.u32 $0xD0000000, s2;
	s6 =	simm.s32 $0x108;
	_ =	swait.ge @!p0 [sflag:s8], $0x0  }
0x24: {  	s3 =	sadd.s32 $0x88, s3;
	s6 =	simm.s32 @!p1 $0x1082;
	[sflag:s4] =	ssyncset.s32 $0xFFFFF086  }
0x25: {  	[simem:s6], [sflag:s4] =	dma.local [hbm:s3], $0xF7A  }
0x26: {  	[smem:$0x3F9B] =	sst s1;
	(tag) =	ssettag s2;
	_ =	strace s9  }
0x27: {  	s1 =	sld [smem:$0x3FAB]  }
0x28: {  	s2 =	sld [smem:$0x3FAC]  }
0x29: {  	s4 =	sld [smem:$0x3FAE]  }
0x2a: {  	p0 =	seq.s32 s5, $0x0;
	s5 =	sld [smem:$0x3FAF]  }
0x2b: {  	s6 =	sld [smem:$0x3FB0]  }
0x2c: {  	s7 =	sld [smem:$0x3FB1]  }
0x2d: {  	s3 =	simm.s32 $0x108;
	s8 =	sld [smem:$0x3FB2]  }
0x2e: {  	s3 =	simm.s32 @!p0 $0x1082;
	s9 =	sld [smem:$0x3FB3]  }
0x2f: {  	lr =	sadd.s32 s0, s3;
	s0 =	sld [smem:$0x3FAA]  }
0x30: {  	s3 =	sld [smem:$0x3FAD]  }
0x31: {  	[smem:$0x3FB6] =	sst s10  }
0x32: {  	s10 =	sld [smem:$0x3FB4];
	_ =	sdelay $0x3  }
0x33: {  	p0 =	seq.s32 s10, $0x1;
	s10 =	sld [smem:$0x3FB6];
	_ =	sdelay $0x3  }
0x34: {  	[smem:$0x3FB6] =	sst s10  }
0x35: {  	s10 =	sld [smem:$0x3FB5];
	_ =	sdelay $0x3  }
0x36: {  	p1 =	seq.s32 s10, $0x1;
	s10 =	sld [smem:$0x3FB6];
	_ =	sdelay $0x3  }
0x37: {  	[smem:$0x3FB6] =	sst s10  }
0x38: {  	s10 =	sld [smem:$0x3FB7]  }
0x39: {  	_ = 	snop;
	(pc) =	sbr.ind lr, $3  }
0x3a: {  	_ = 	snop  }
0x3b: {  	_ = 	snop  }
0x3c: {  	p2 =	seq.s32 s10, $0x1;
	s10 =	sld [smem:$0x3FB6]  }
0x3d: {  	_ =	shalt  }
0x3e: {  	_ =	shalt  }
0x3f: {  	_ =	shalt  }
0x40: {  	_ =	shalt  }
0x41: {  	_ =	shalt  }
0x42: {  	_ =	shalt  }
0x43: {  	_ =	shalt  }
0x44: {  	_ =	shalt  }
0x45: {  	_ =	shalt  }
0x46: {  	_ =	shalt  }
0x47: {  	_ =	shalt  }
0x48: {  	_ =	shalt  }
0x49: {  	_ =	shalt  }
0x4a: {  	_ =	shalt  }
0x4b: {  	_ =	shalt  }
0x4c: {  	_ =	shalt  }
0x4d: {  	_ =	shalt  }
0x4e: {  	_ =	shalt  }
0x4f: {  	_ =	shalt  }
0x50: {  	_ =	shalt  }
0x51: {  	_ =	shalt  }
0x52: {  	_ =	shalt  }
0x53: {  	_ =	shalt  }
0x54: {  	_ =	shalt  }
0x55: {  	_ =	shalt  }
0x56: {  	_ =	shalt  }
0x57: {  	_ =	shalt  }
0x58: {  	_ =	shalt  }
0x59: {  	_ =	shalt  }
0x5a: {  	_ =	shalt  }
0x5b: {  	_ =	shalt  }
0x5c: {  	_ =	shalt  }
0x5d: {  	_ =	shalt  }
0x5e: {  	_ =	shalt  }
0x5f: {  	_ =	shalt  }
0x60: {  	_ =	shalt  }
0x61: {  	_ =	shalt  }
0x62: {  	_ =	shalt  }
0x63: {  	_ =	shalt  }
0x64: {  	_ =	shalt  }
0x65: {  	_ =	shalt  }
0x66: {  	_ =	shalt  }
0x67: {  	_ =	shalt  }
0x68: {  	_ =	shalt  }
0x69: {  	_ =	shalt  }
0x6a: {  	_ =	shalt  }
0x6b: {  	_ =	shalt  }
0x6c: {  	_ =	shalt  }
0x6d: {  	_ =	shalt  }
0x6e: {  	_ =	shalt  }
0x6f: {  	_ =	shalt  }
0x70: {  	_ =	shalt  }
0x71: {  	_ =	shalt  }
0x72: {  	_ =	shalt  }
0x73: {  	_ =	shalt  }
0x74: {  	_ =	shalt  }
0x75: {  	_ =	shalt  }
0x76: {  	_ =	shalt  }
0x77: {  	_ =	shalt  }
0x78: {  	_ =	shalt  }
0x79: {  	_ =	shalt  }
0x7a: {  	_ =	shalt  }
0x7b: {  	_ =	shalt  }
0x7c: {  	_ =	shalt  }
0x7d: {  	_ =	shalt  }
0x7e: {  	_ =	shalt  }
0x7f: {  	_ =	shalt  }
0x80: {  	_ =	shalt  }
0x81: {  	_ =	shalt  }
0x82: {  	_ =	shalt  }
0x83: {  	_ =	shalt  }
0x84: {  	_ =	shalt  }
0x85: {  	_ =	shalt  }
0x86: {  	_ =	shalt  }
0x87: {  	_ =	shalt  }
.Lfunc_end0:
.L_simem_size_0:
called_computation.1_lowered:
.L_overlay_start_0:
0x88: {  	s2 =	sld [smem:$0x3FD9]  }
0x89: {  	s3 =	sld [smem:$0x3FFE];
	_ =	sdelay $0x1  }
0x8a: {  	s1 =	srdreg.scid  }
0x8b: {  	s0 =	sand.u32 $0x1, s1  }
0x8c: {  	s16 =	sshll.u32 s0, $0xA;
	s2 =	sadd.s32 s3, s2  }
0x8d: {  	s2 =	sadd.s32 s2, s16  }
0x8e: {  	[smem:$0x3FC2] =	sst s2  }
0x8f: {  	_ = 	snop  }
0x90: {  	(tm) =	ssettm $0x1  }
0x91: {  	s17 =	sld [smem:$0x3FFB];
	_ =	sdelay $0x3  }
0x92: {  	_ =	strace s17  }
0x93: {  	s2 =	sld [smem:$0x3FFC];
	_ =	sdelay $0x3  }
0x94: {  	_ =	strace s2  }
0x95: {  	s2 =	sld [smem:$0x3FFD];
	_ =	sdelay $0x3  }
0x96: {  	_ =	strace s2  }
0x97: {  	_ =	strace $0x8FFFFFFF  }
0x98: {  	s18 =	sld [smem:$0x3FDB];
	_ =	sdelay $0x1  }
0x99: {  	s19 =	simm.s32 $_scs_section_size  }
0x9a: {  	s4 =	simm.s32 $_size__tile_overlayer_lowered;
	s5 =	simm.s32 $_tile_overlayer_lowered  }
0x9b: {  	s22 =	simm.s32 $0x1BFF;
	s21 =	sshll.u32 s5, $0x1;
	s2 =	sadd.s32 s19, s18  }
0x9c: {  	s6 =	simm.s32 $0x0;
	s20 =	sshll.u32 s4, $0x1;
	s4 =	sadd.s32 s21, s2  }
0x9d: {  	[timem:s6], [sflag:s22] =	dma.local [hbm:s4], s20  }
0x9e: {  	_ =	swait.ge [sflag:s22], s20  }
0x9f: {  	s3 =	ssub.s32 $0x0, s20;
	[sflag:s22] =	ssyncset.done $0x0  }
0xa0: {  	[sflag:s22] =	ssyncadd.s32 s3;
	_ =	sdelay $0x1  }
0xa1: {  	s23 =	simm.s32 $0x1B8B  }
0xa2: {  	_ =	swait.ge [sflag:s23], $0x1  }
0xa3: {  	[sflag:s23] =	ssyncset.done $0x0  }
0xa4: {  	s25 =	simm.s32 $0x1B8E;
	s24 =	sld [smem:$0x3FFE];
	[sflag:s23] =	ssyncadd.s32 $0xFFFFFFFF  }
0xa5: {  	s26 =	simm.s32 $execute0_lowered;
	[smem:$0x3FD2] =	sst s25  }
0xa6: {  	s4 =	sshll.u32 s26, $0x1;
	_ =	strace $0x80000049;
	[dreg:$0x1] =	wrdreg $0xFFFFFFFF  }
0xa7: {  	s28 =	simm.s32 $_size_execute0_lowered;
	s2 =	sadd.s32 s2, s4;
	[dreg:$0x0] =	wrdreg $0x0  }
0xa8: {  	s4 =	sshll.u32 s28, $0x1;
	[dreg:$0x2] =	wrdreg s2  }
0xa9: {  	[dreg:$0x3] =	wrdreg s4  }
0xaa: {  	[dreg:$0x4] =	wrdreg $0xC0  }
0xab: {  	_ =	task [dreg:s6], $0x5FFFF  }
0xac: {  	[dreg:$0x1] =	wrdreg $0xFFFFFFFF  }
0xad: {  	[dreg:$0x0] =	wrdreg $0x60  }
0xae: {  	[dreg:$0x2] =	wrdreg s24  }
0xaf: {  	[dreg:$0x3] =	wrdreg $0x158800  }
0xb0: {  	[dreg:$0x4] =	wrdreg $0x1F8800  }
0xb1: {  	[dreg:$0x5] =	wrdreg $0x9  }
0xb2: {  	_ =	task.clear_ibuf [dreg:s6], $0x6FFFF;
	_ =	strace $0x90000049  }
0xb3: {  	s29 =	simm.s32 $0x9;
	_ =	strace $0x8000004B  }
0xb4: {  	_ =	swait.ge [sflag:s29], $0x1  }
0xb5: {  	[sflag:s29] =	ssyncadd.s32 $0xFFFFFFFF  }
0xb6: {  	_ =	strace $0x9000004B  }
0xb7: {  	_ =	sfence  }
0xb8: {  	s30 =	sld [smem:$0x0];
	_ =	sdelay $0x2  }
0xb9: {  	s31 =	sshll.u32 s1, $0xD;
	s1 =	sshrl.u32 s1, $0x2  }
0xba: {  	s3 =	sand.u32 $0x4000, s31;
	s1 =	sadd.s32 s1, s30  }
0xbb: {  	s0 =	sor.u32 s3, s0;
	s1 =	sshll.u32 s1, $0x11  }
0xbc: {  	s0 =	sor.u32 s1, s0  }
0xbd: {  	s0 =	sadd.s32 $0x8F2B, s0  }
0xbe: {  	[sflag:s0] =	ssyncadd.remote.s32 $0x1  }
0xbf: {  	_ =	sfence.sel $0xFFFF  }
0xc0: {  	[dreg:$0x0] =	wrdreg $0xFFFFFFFF;
	(pc) =	sbr.abs _section_cstart, $3  }
0xc1: {  	[dreg:$0x1] =	wrdreg $0xFFFFFFFF  }
0xc2: {  	_ =	task.clear_ibuf [dreg:s6], $0x2FFFF;
	_ =	strace $0x9FFFFFFF  }
0xc3: {  	(tm) =	ssettm $0x7FFFFFFF  }
tec
execute0_lowered:
.L_overlay_start_1:
0x0: {  	(tag) =	ssettag $0x1  }
0x1: {  	s0 =	rddreg [dreg:$0x0];
	s17 =	stileid.u32  }
0x2: {  	s2 =	rddreg [dreg:$0x1];
	s7 =	smul.u32 $0x5000, s17  }
0x3: {  	s3 =	rddreg [dreg:$0x2];
	s11 =	smul.u32 $0x14000, s17  }
0x4: {  	s1 =	srdreg.scid;
	s13 =	smul.u32 $0x280, s17  }
0x5: {  	s4 =	simm.s32 $0x0;
	s1 =	sand.u32 $0x1, s1;
	s25 =	smul.u32 $0x28000, s17  }
0x6: {  	[smem:$0x7FF] =	sst s4;
	s8 =	smul.u32 $0x50000, s1  }
0x7: {  	s5 =	sadd.s32 $0x3EA00, s0;
	s6 =	sadd.s32 $0x1600, s0;
	s9 =	smul.u32 $0x2800, s1  }
0x8: {  	_ =	strace $0x8000004A;
	s12 =	sshll.u32 s1, $0x6;
	s16 =	smul.u32 $0xA000, s1  }
0x9: {  	s14 =	ssub.s32 $0x2, s1;
	s1 =	smul.u32 $0x50, s1;
	s11 =	sor.u32 s12, s11  }
0xa: {  	s15 =	sshrl.u32 s14, $0x1;
	s30 =	sshrl.u32 s25, $0x2;
	s17 =	sadd.s32 s13, s3  }
0xb: {  	s8 =	sadd.s32 s7, s8;
	s10 =	sadd.s32 s9, s7;
	s7 =	sshrl.u32 s7, $0x3  }
0xc: {  	s11 =	sshrl.u32 s11, $0x3;
	s24 =	sadd.s32 s13, s9;
	s14 =	ssub.s32 s14, s15  }
0xd: {  	s28 =	sshrl.u32 s16, $0x2;
	s9 =	sadd.s32 $0x7800, s9;
	s16 =	smin.u32 s1, $0x4F  }
0xe: {  	s21 =	smin.u32 s1, $0x4E;
	s22 =	smin.u32 s1, $0x51;
	s1 =	smin.u32 s1, $0x50  }
0xf: {  	s13 =	simm.s32 $0x14580;
	s8 =	sshrl.u32 s8, $0x3;
	s10 =	sshrl.u32 s10, $0x3  }
0x10: {  	s7 =	sadd.s32 s7, s0;
	s11 =	sadd.s32 s11, s0;
	s12 =	sshrl.u32 s24, $0x3  }
0x11: {  	[dreg:$0x7] =	wrdreg s9;
	s31 =	sadd.s32 $0x7880, s28;
	s19 =	sshll.u32 s16, $0x7  }
0x12: {  	s20 =	smax.u32 s14, $0x1;
	s23 =	sshll.u32 s22, $0x7;
	s1 =	sshll.u32 s1, $0x7  }
0x13: {  	s29 =	sadd.s32 $0x7980, s28;
	s14 =	simm.s32 $0x14600;
	[dreg:$0x8] =	wrdreg s31  }
0x14: {  	s16 =	simm.s32 $0x2;
	s7 =	sadd.s32 $0x2AA00, s7;
	[dreg:$0xf] =	wrdreg s20  }
0x15: {  	s8 =	sadd.s32 s8, s0;
	s18 =	sadd.s32 $0x65C00, s11;
	[dreg:$0x6] =	wrdreg s7  }
0x16: {  	s10 =	sadd.s32 s10, s0;
	s24 =	sadd.s32 $0x9F80, s1;
	[dreg:$0xd] =	wrdreg s18  }
0x17: {  	s0 =	sadd.s32 s12, s0;
	s8 =	sadd.s32 $0x16A00, s8;
	[dreg:$0x13] =	wrdreg s24  }
0x18: {  	s12 =	sadd.s32 s30, s2;
	s26 =	sadd.s32 $0x34A00, s10;
	[dreg:$0x4] =	wrdreg s8  }
0x19: {  	s22 =	simm.s32 $0x4F80;
	s9 =	sadd.s32 $0x2000, s12;
	[dreg:$0x5] =	wrdreg s26  }
0x1a: {  	s1 =	simm.s32 $0x7D;
	s10 =	sadd.s32 $0x3000, s12;
	[dreg:$0xa] =	wrdreg s9  }
0x1b: {  	s11 =	simm.s32 $0x14500;
	s15 =	sadd.s32 $0x4000, s12;
	[dreg:$0xb] =	wrdreg s10  }
0x1c: {  	s20 =	simm.s32 $0x4;
	s0 =	sadd.s32 $0x1C00, s0;
	[dreg:$0xc] =	wrdreg s15  }
0x1d: {  	s25 =	sadd.s32 $0x5000, s12;
	s28 =	sadd.s32 $0x7000, s12;
	[dreg:$0xe] =	wrdreg s0  }
0x1e: {  	s30 =	sadd.s32 $0x8000, s12;
	s31 =	sadd.s32 $0x9000, s12;
	[dreg:$0x14] =	wrdreg s25  }
0x1f: {  	s7 =	simm.s32 $0xC800;
	s18 =	simm.s32 $0x5;
	[dreg:$0x16] =	wrdreg s28  }
0x20: {  	s8 =	sadd.s32 $0x1000, s12;
	s0 =	sadd.s32 $0xA000, s19;
	[dreg:$0x17] =	wrdreg s30  }
0x21: {  	s26 =	sadd.s32 $0x6000, s12;
	[dreg:$0x18] =	wrdreg s31;
	s9 =	simm.s32 $0x10680  }
0x22: {  	s10 =	simm.s32 $0x125C0;
	s15 =	simm.s32 $0x1;
	[dreg:$0x9] =	wrdreg s8  }
0x23: {  	s19 =	simm.s32 $0x3;
	[dreg:$0x10] =	wrdreg s0;
	s0 =	sshll.u32 s21, $0x7  }
0x24: {  	[dreg:$0x15] =	wrdreg s26;
	s8 =	simm.s32 $0xE740;
	s0 =	sadd.s32 $0xA080, s0  }
0x25: {  	s21 =	simm.s32 $0x6;
	[dreg:$0x11] =	wrdreg s0;
	s0 =	sadd.s32 $0x9F00, s23  }
0x26: {  	v0 =	vimm.f32 $0.0e+00;
	s23 =	simm.s32 $0x0;
	[dreg:$0x12] =	wrdreg s0;
	s0 =	simm.s32 $0x7  }
.LBB2_1:
0x27: {  	s24 =	rddreg [dreg:$0x4]  }
0x28: {  	[tilespmem:s4], [sflag:$0x7] =	stream.linear.gather [hbm4b:s24+s4], $0x5000, $0x38;
	[tilespmem:$0x1FB00] =	vst v63  }
0x29: {  	_ =	swait.ge [sflag:s0], $0x5000  }
0x2a: {  	[sflag:s0] =	ssyncset.done $0x0  }
0x2b: {  	s25 =	simm.s32 $0x5000;
	s28 =	rddreg [dreg:$0x5];
	[sflag:s0] =	ssyncadd.s32 $0xFFFFB000  }
0x2c: {  	[tilespmem:s25], [sflag:$0x7] =	stream.linear.gather [hbm4b:s28+s4], $0x2800, $0x38;
	[tilespmem:$0x1FB00] =	vst v63  }
0x2d: {  	_ =	swait.ge [sflag:s0], $0x2800  }
0x2e: {  	[sflag:s0] =	ssyncset.done $0x0  }
0x2f: {  	s31 =	simm.s32 $0x7800;
	s30 =	rddreg [dreg:$0x6];
	[sflag:s0] =	ssyncadd.s32 $0xFFFFD800  }
0x30: {  	[tilespmem:s31], [sflag:$0x7] =	stream.linear.gather [hbm4b:s30+s4], $0x5000, $0x38;
	[tilespmem:$0x1FB00] =	vst v63  }
0x31: {  	_ =	swait.ge [sflag:s0], $0x5000  }
0x32: {  	[sflag:s0] =	ssyncset.done $0x0  }
0x33: {  	[sflag:s0] =	ssyncadd.s32 $0xFFFFB000  }
0x34: {  	[tilespmem:s7], [sflag:$0x1] =	stream.indirect.gather [hbm4b:s5+s1], $0x40, s4, s1, $0xb8;
	[tilespmem:$0x1FB00] =	vst v63  }
0x35: {  	s25 =	simm.s32 $0x80  }
0x36: {  	[tilespmem:s8], [sflag:$0x2] =	stream.indirect.gather [hbm4b:s5+s1], $0x40, s25, s1, $0xb8;
	[tilespmem:$0x1FB00] =	vst v63  }
0x37: {  	s26 =	simm.s32 $0x100  }
0x38: {  	[tilespmem:s9], [sflag:$0x3] =	stream.indirect.gather [hbm4b:s5+s1], $0x40, s26, s1, $0xb8;
	[tilespmem:$0x1FB00] =	vst v63  }
0x39: {  	s28 =	simm.s32 $0x180  }
0x3a: {  	[tilespmem:s10], [sflag:$0x4] =	stream.indirect.gather [hbm4b:s5+s1], $0x40, s28, s1, $0xb8;
	[tilespmem:$0x1FB00] =	vst v63  }
0x3b: {  	s30 =	rddreg [dreg:$0x7]  }
0x3c: {  	[tilespmem:s11], [sflag:$0x5] =	stream.indirect.gather [hbm4b:s6+s1], $0x1, s30, s1, $0xb8;
	[tilespmem:$0x1FB00] =	vst v63  }
0x3d: {  	s24 =	simm.s32 $0x0;
	s31 =	rddreg [dreg:$0x8];
	s25 =	simm.s32 $0x100  }
0x3e: {  	[tilespmem:s13], [sflag:$0x6] =	stream.indirect.gather [hbm4b:s6+s1], $0x1, s31, s1, $0xb8;
	[tilespmem:$0x1FB00] =	vst v63  }
.LBB2_2:
0x3f: {  	p0 =	sne.s32 s25, $0x3F00;
	[tilespmem:s24+$0x14630] =	vst v0;
	s26 =	smov.u32 s25;
	s25 =	sadd.s32 $0x100, s25  }
.Ltmp0:
0x40: {  	[tilespmem:s24+$0x14620] =	vst v0;
	(pc) =	sbr.rel @p0 .LBB2_2-.Ltmp0, $3  }
0x41: {  	[tilespmem:s24+$0x14600] =	vst v0  }
0x42: {  	[tilespmem:s24+$0x14610] =	vst v0;
	_ =	sdelay $0x1  }
0x43: {  	s24 =	sshra.s32 s26, $0x2  }
0x44: {  	[tilespmem:s24+$0x14630] =	vst v0  }
0x45: {  	[tilespmem:s24+$0x14620] =	vst v0  }
0x46: {  	[tilespmem:s24+$0x14600] =	vst v0  }
0x47: {  	[tilespmem:s24+$0x14610] =	vst v0  }
0x48: {  	[tilespmem:$0x15600] =	vst v0  }
0x49: {  	[tilespmem:$0x15610] =	vst v0  }
0x4a: {  	[tilespmem:$0x15620] =	vst v0  }
0x4b: {  	[tilespmem:$0x15630] =	vst v0  }
0x4c: {  	[tilespmem:$0x15640] =	vst v0  }
0x4d: {  	[tilespmem:$0x15650] =	vst v0  }
0x4e: {  	[tilespmem:$0x15660] =	vst v0  }
0x4f: {  	[tilespmem:$0x15670] =	vst v0  }
0x50: {  	[tilespmem:$0x15680] =	vst v0  }
0x51: {  	[tilespmem:$0x15690] =	vst v0  }
0x52: {  	[tilespmem:$0x156A0] =	vst v0  }
0x53: {  	[tilespmem:$0x156B0] =	vst v0  }
0x54: {  	[tilespmem:$0x156C0] =	vst v0  }
0x55: {  	[tilespmem:$0x156D0] =	vst v0  }
0x56: {  	[tilespmem:$0x156E0] =	vst v0  }
0x57: {  	[tilespmem:$0x156F0] =	vst v0  }
0x58: {  	[tilespmem:$0x15700] =	vst v0  }
0x59: {  	[tilespmem:$0x15710] =	vst v0  }
0x5a: {  	[tilespmem:$0x15720] =	vst v0  }
0x5b: {  	[tilespmem:$0x15730] =	vst v0  }
0x5c: {  	[tilespmem:$0x15740] =	vst v0  }
0x5d: {  	[tilespmem:$0x15750] =	vst v0  }
0x5e: {  	[tilespmem:$0x15760] =	vst v0  }
0x5f: {  	[tilespmem:$0x15770] =	vst v0  }
0x60: {  	[tilespmem:$0x15780] =	vst v0  }
0x61: {  	[tilespmem:$0x15790] =	vst v0  }
0x62: {  	[tilespmem:$0x157A0] =	vst v0  }
0x63: {  	[tilespmem:$0x157B0] =	vst v0  }
0x64: {  	[tilespmem:$0x157C0] =	vst v0  }
0x65: {  	[tilespmem:$0x157D0] =	vst v0  }
0x66: {  	[tilespmem:$0x157E0] =	vst v0  }
0x67: {  	[tilespmem:$0x157F0] =	vst v0  }
0x68: {  	[tilespmem:$0x15800] =	vst v0  }
0x69: {  	[tilespmem:$0x15810] =	vst v0  }
0x6a: {  	[tilespmem:$0x15820] =	vst v0  }
0x6b: {  	[tilespmem:$0x15830] =	vst v0  }
0x6c: {  	[tilespmem:$0x15840] =	vst v0  }
0x6d: {  	[tilespmem:$0x15850] =	vst v0  }
0x6e: {  	[tilespmem:$0x15860] =	vst v0  }
0x6f: {  	[tilespmem:$0x15870] =	vst v0  }
0x70: {  	[spmem:s12] =	stream.linear.scatter [tilespmem:s14], [sflag:$0x7], $0x1000, $0x38;
	[tilespmem:$0x1FB00] =	vst v63  }
0x71: {  	_ =	swait.ge [sflag:s0], $0x1000  }
0x72: {  	[sflag:s0] =	ssyncset.done $0x0  }
0x73: {  	s31 =	rddreg [dreg:$0x9];
	[sflag:s0] =	ssyncadd.s32 $0xFFFFF000  }
0x74: {  	[spmem:s31] =	stream.linear.scatter [tilespmem:s14], [sflag:$0x7], $0x1000, $0x38;
	[tilespmem:$0x1FB00] =	vst v63  }
0x75: {  	_ =	swait.ge [sflag:s0], $0x1000  }
0x76: {  	[sflag:s0] =	ssyncset.done $0x0  }
0x77: {  	s25 =	rddreg [dreg:$0xa];
	[sflag:s0] =	ssyncadd.s32 $0xFFFFF000  }
0x78: {  	[spmem:s25] =	stream.linear.scatter [tilespmem:s14], [sflag:$0x7], $0x1000, $0x38;
	[tilespmem:$0x1FB00] =	vst v63  }
0x79: {  	_ =	swait.ge [sflag:s0], $0x1000  }
0x7a: {  	[sflag:s0] =	ssyncset.done $0x0  }
0x7b: {  	s26 =	rddreg [dreg:$0xb];
	[sflag:s0] =	ssyncadd.s32 $0xFFFFF000  }
0x7c: {  	[spmem:s26] =	stream.linear.scatter [tilespmem:s14], [sflag:$0x7], $0x1000, $0x38;
	[tilespmem:$0x1FB00] =	vst v63  }
0x7d: {  	_ =	swait.ge [sflag:s0], $0x1000  }
0x7e: {  	[sflag:s0] =	ssyncset.done $0x0  }
0x7f: {  	s30 =	rddreg [dreg:$0xc];
	[sflag:s0] =	ssyncadd.s32 $0xFFFFF000  }
0x80: {  	[spmem:s30] =	stream.linear.scatter [tilespmem:s14], [sflag:$0x7], $0x1000, $0x38;
	[tilespmem:$0x1FB00] =	vst v63  }
0x81: {  	_ =	swait.ge [sflag:s0], $0x1000  }
0x82: {  	[sflag:s0] =	ssyncset.done $0x0  }
0x83: {  	s31 =	rddreg [dreg:$0x14];
	[sflag:s0] =	ssyncadd.s32 $0xFFFFF000  }
0x84: {  	[spmem:s31] =	stream.linear.scatter [tilespmem:s14], [sflag:$0x7], $0x1000, $0x38;
	[tilespmem:$0x1FB00] =	vst v63  }
0x85: {  	_ =	swait.ge [sflag:s0], $0x1000  }
0x86: {  	[sflag:s0] =	ssyncset.done $0x0  }
0x87: {  	s25 =	rddreg [dreg:$0x15];
	[sflag:s0] =	ssyncadd.s32 $0xFFFFF000  }
0x88: {  	[spmem:s25] =	stream.linear.scatter [tilespmem:s14], [sflag:$0x7], $0x1000, $0x38;
	[tilespmem:$0x1FB00] =	vst v63  }
0x89: {  	_ =	swait.ge [sflag:s0], $0x1000  }
0x8a: {  	[sflag:s0] =	ssyncset.done $0x0  }
0x8b: {  	s26 =	rddreg [dreg:$0x16];
	[sflag:s0] =	ssyncadd.s32 $0xFFFFF000  }
0x8c: {  	[spmem:s26] =	stream.linear.scatter [tilespmem:s14], [sflag:$0x7], $0x1000, $0x38;
	[tilespmem:$0x1FB00] =	vst v63  }
0x8d: {  	_ =	swait.ge [sflag:s0], $0x1000  }
0x8e: {  	[sflag:s0] =	ssyncset.done $0x0  }
0x8f: {  	s30 =	rddreg [dreg:$0x17];
	[sflag:s0] =	ssyncadd.s32 $0xFFFFF000  }
0x90: {  	[spmem:s30] =	stream.linear.scatter [tilespmem:s14], [sflag:$0x7], $0x1000, $0x38;
	[tilespmem:$0x1FB00] =	vst v63  }
0x91: {  	_ =	swait.ge [sflag:s0], $0x1000  }
0x92: {  	[sflag:s0] =	ssyncset.done $0x0  }
0x93: {  	s31 =	rddreg [dreg:$0x18];
	[sflag:s0] =	ssyncadd.s32 $0xFFFFF000  }
0x94: {  	[spmem:s31] =	stream.linear.scatter [tilespmem:s14], [sflag:$0x7], $0x1000, $0x38;
	[tilespmem:$0x1FB00] =	vst v63  }
0x95: {  	_ =	swait.ge [sflag:s0], $0x1000  }
0x96: {  	[sflag:s0] =	ssyncset.done $0x0  }
0x97: {  	s25 =	simm.s32 $0x15600;
	[sflag:s0] =	ssyncadd.s32 $0xFFFFF000  }
0x98: {  	[spmem:s17] =	stream.linear.scatter [tilespmem:s25], [sflag:$0x7], $0x280, $0x38;
	[tilespmem:$0x1FB00] =	vst v63  }
0x99: {  	_ =	swait.ge [sflag:s0], $0x280  }
0x9a: {  	[sflag:s0] =	ssyncset.done $0x0  }
0x9b: {  	[sflag:s0] =	ssyncadd.s32 $0xFFFFFD80  }
0x9c: {  	[bflag:$0x0] =	sbarrier.arrive $0xFFFF  }
0x9d: {  	_ =	swait.ge [sflag:s15], $0x1F40  }
0x9e: {  	[sflag:s15] =	ssyncset.done $0x0  }
0x9f: {  	s26 =	simm.s32 $0x7800;
	[sflag:s15] =	ssyncadd.s32 $0xFFFFE0C0  }
0xa0: {  	[spmem:s2] =	stream.indirect.scatter.add.f32 [tilespmem:s7], [sflag:$0x7], $0x40, s26, s1, $0xb8;
	[tilespmem:$0x1FB00] =	vst v63  }
0xa1: {  	_ =	swait.ge [sflag:s0], $0x1F40  }
0xa2: {  	[sflag:s0] =	ssyncset.done $0x0  }
0xa3: {  	s30 =	simm.s32 $0x200;
	[sflag:s0] =	ssyncadd.s32 $0xFFFFE0C0  }
0xa4: {  	[tilespmem:s7], [sflag:$0x1] =	stream.indirect.gather [hbm4b:s5+s1], $0x40, s30, s1, $0xb8;
	[tilespmem:$0x1FB00] =	vst v63  }
0xa5: {  	_ =	swait.ge [sflag:s16], $0x1F40  }
0xa6: {  	[sflag:s16] =	ssyncset.done $0x0  }
0xa7: {  	s31 =	simm.s32 $0x7880;
	[sflag:s16] =	ssyncadd.s32 $0xFFFFE0C0  }
0xa8: {  	[spmem:s2] =	stream.indirect.scatter.add.f32 [tilespmem:s8], [sflag:$0x7], $0x40, s31, s1, $0xb8;
	[tilespmem:$0x1FB00] =	vst v63  }
0xa9: {  	_ =	swait.ge [sflag:s0], $0x1F40  }
0xaa: {  	[sflag:s0] =	ssyncset.done $0x0  }
0xab: {  	s25 =	simm.s32 $0x280;
	[sflag:s0] =	ssyncadd.s32 $0xFFFFE0C0  }
0xac: {  	[tilespmem:s8], [sflag:$0x2] =	stream.indirect.gather [hbm4b:s5+s1], $0x40, s25, s1, $0xb8;
	[tilespmem:$0x1FB00] =	vst v63  }
0xad: {  	_ =	swait.ge [sflag:s18], $0x7D  }
0xae: {  	[sflag:s18] =	ssyncset.done $0x0  }
0xaf: {  	s26 =	simm.s32 $0x5000;
	[sflag:s18] =	ssyncadd.s32 $0xFFFFFF83  }
0xb0: {  	[spmem:s3] =	stream.indirect.scatter.add.f32 [tilespmem:s11], [sflag:$0x7], $0x1, s26, s1, $0xb8;
	[tilespmem:$0x1FB00] =	vst v63  }
0xb1: {  	_ =	swait.ge [sflag:s0], $0x7D  }
0xb2: {  	[sflag:s0] =	ssyncset.done $0x0  }
0xb3: {  	s30 =	sadd.s32 $0xFFFFFF80, s29;
	[sflag:s0] =	ssyncadd.s32 $0xFFFFFF83  }
0xb4: {  	[tilespmem:s11], [sflag:$0x5] =	stream.indirect.gather [hbm4b:s6+s1], $0x1, s30, s1, $0xb8;
	[tilespmem:$0x1FB00] =	vst v63  }
0xb5: {  	_ =	swait.ge [sflag:s19], $0x1F40  }
0xb6: {  	[sflag:s19] =	ssyncset.done $0x0  }
0xb7: {  	s31 =	simm.s32 $0x7900;
	[sflag:s19] =	ssyncadd.s32 $0xFFFFE0C0  }
0xb8: {  	[spmem:s2] =	stream.indirect.scatter.add.f32 [tilespmem:s9], [sflag:$0x7], $0x40, s31, s1, $0xb8;
	[tilespmem:$0x1FB00] =	vst v63  }
0xb9: {  	_ =	swait.ge [sflag:s0], $0x1F40  }
0xba: {  	[sflag:s0] =	ssyncset.done $0x0  }
0xbb: {  	s25 =	simm.s32 $0x300;
	[sflag:s0] =	ssyncadd.s32 $0xFFFFE0C0  }
0xbc: {  	[tilespmem:s9], [sflag:$0x3] =	stream.indirect.gather [hbm4b:s5+s1], $0x40, s25, s1, $0xb8;
	[tilespmem:$0x1FB00] =	vst v63  }
0xbd: {  	_ =	swait.ge [sflag:s20], $0x1F40  }
0xbe: {  	[sflag:s20] =	ssyncset.done $0x0  }
0xbf: {  	s26 =	simm.s32 $0x7980;
	[sflag:s20] =	ssyncadd.s32 $0xFFFFE0C0  }
0xc0: {  	[spmem:s2] =	stream.indirect.scatter.add.f32 [tilespmem:s10], [sflag:$0x7], $0x40, s26, s1, $0xb8;
	[tilespmem:$0x1FB00] =	vst v63  }
0xc1: {  	_ =	swait.ge [sflag:s0], $0x1F40  }
0xc2: {  	[sflag:s0] =	ssyncset.done $0x0  }
0xc3: {  	s30 =	simm.s32 $0x380;
	[sflag:s0] =	ssyncadd.s32 $0xFFFFE0C0  }
0xc4: {  	[tilespmem:s10], [sflag:$0x4] =	stream.indirect.gather [hbm4b:s5+s1], $0x40, s30, s1, $0xb8;
	[tilespmem:$0x1FB00] =	vst v63  }
0xc5: {  	_ =	swait.ge [sflag:s21], $0x7D  }
0xc6: {  	[sflag:s21] =	ssyncset.done $0x0  }
0xc7: {  	s31 =	simm.s32 $0x5080;
	[sflag:s21] =	ssyncadd.s32 $0xFFFFFF83  }
0xc8: {  	[spmem:s3] =	stream.indirect.scatter.add.f32 [tilespmem:s13], [sflag:$0x7], $0x1, s31, s1, $0xb8;
	[tilespmem:$0x1FB00] =	vst v63  }
0xc9: {  	_ =	swait.ge [sflag:s0], $0x7D  }
0xca: {  	s24 =	simm.s32 $0x800;
	s28 =	sadd.s32 $0x100, s29;
	[sflag:s0] =	ssyncset.done $0x0  }
0xcb: {  	s25 =	smov.u32 s29;
	s26 =	simm.s32 $0x5100;
	[sflag:s0] =	ssyncadd.s32 $0xFFFFFF83  }
.LBB2_4:
0xcc: {  	[tilespmem:s13], [sflag:$0x6] =	stream.indirect.gather [hbm4b:s6+s1], $0x1, s25, s1, $0xb8;
	[tilespmem:$0x1FB00] =	vst v63  }
0xcd: {  	s30 =	smov.u32 s24;
	s25 =	smov.u32 s28  }
0xce: {  	p0 =	sne.s32 s24, $0x12800;
	s24 =	sadd.s32 $0x800, s24;
	_ =	swait.ge [sflag:s15], $0x1F40  }
0xcf: {  	s30 =	sshra.s32 s30, $0x2;
	[sflag:s15] =	ssyncset.done $0x0  }
0xd0: {  	s31 =	sadd.s32 $0x7800, s30;
	[sflag:s15] =	ssyncadd.s32 $0xFFFFE0C0  }
0xd1: {  	[spmem:s2] =	stream.indirect.scatter.add.f32 [tilespmem:s7], [sflag:$0x7], $0x40, s31, s1, $0xb8;
	[tilespmem:$0x1FB00] =	vst v63  }
0xd2: {  	_ =	swait.ge [sflag:s0], $0x1F40  }
0xd3: {  	[sflag:s0] =	ssyncset.done $0x0  }
0xd4: {  	s31 =	sadd.s32 $0x200, s30;
	[sflag:s0] =	ssyncadd.s32 $0xFFFFE0C0  }
0xd5: {  	[tilespmem:s7], [sflag:$0x1] =	stream.indirect.gather [hbm4b:s5+s1], $0x40, s31, s1, $0xb8;
	[tilespmem:$0x1FB00] =	vst v63  }
0xd6: {  	_ =	swait.ge [sflag:s16], $0x1F40  }
0xd7: {  	[sflag:s16] =	ssyncset.done $0x0  }
0xd8: {  	s31 =	sadd.s32 $0x7880, s30;
	[sflag:s16] =	ssyncadd.s32 $0xFFFFE0C0  }
0xd9: {  	[spmem:s2] =	stream.indirect.scatter.add.f32 [tilespmem:s8], [sflag:$0x7], $0x40, s31, s1, $0xb8;
	[tilespmem:$0x1FB00] =	vst v63  }
0xda: {  	_ =	swait.ge [sflag:s0], $0x1F40  }
0xdb: {  	[sflag:s0] =	ssyncset.done $0x0  }
0xdc: {  	s31 =	sadd.s32 $0x280, s30;
	[sflag:s0] =	ssyncadd.s32 $0xFFFFE0C0  }
0xdd: {  	[tilespmem:s8], [sflag:$0x2] =	stream.indirect.gather [hbm4b:s5+s1], $0x40, s31, s1, $0xb8;
	[tilespmem:$0x1FB00] =	vst v63  }
0xde: {  	_ =	swait.ge [sflag:s18], $0x7D  }
0xdf: {  	[sflag:s18] =	ssyncset.done $0x0  }
0xe0: {  	[sflag:s18] =	ssyncadd.s32 $0xFFFFFF83  }
0xe1: {  	[spmem:s3] =	stream.indirect.scatter.add.f32 [tilespmem:s11], [sflag:$0x7], $0x1, s26, s1, $0xb8;
	[tilespmem:$0x1FB00] =	vst v63  }
0xe2: {  	_ =	swait.ge [sflag:s0], $0x7D  }
0xe3: {  	[sflag:s0] =	ssyncset.done $0x0  }
0xe4: {  	s31 =	sadd.s32 $0xFFFFFF80, s28;
	[sflag:s0] =	ssyncadd.s32 $0xFFFFFF83  }
0xe5: {  	[tilespmem:s11], [sflag:$0x5] =	stream.indirect.gather [hbm4b:s6+s1], $0x1, s31, s1, $0xb8;
	[tilespmem:$0x1FB00] =	vst v63  }
0xe6: {  	_ =	swait.ge [sflag:s19], $0x1F40  }
0xe7: {  	[sflag:s19] =	ssyncset.done $0x0  }
0xe8: {  	s31 =	sadd.s32 $0x7900, s30;
	[sflag:s19] =	ssyncadd.s32 $0xFFFFE0C0  }
0xe9: {  	[spmem:s2] =	stream.indirect.scatter.add.f32 [tilespmem:s9], [sflag:$0x7], $0x40, s31, s1, $0xb8;
	[tilespmem:$0x1FB00] =	vst v63  }
0xea: {  	_ =	swait.ge [sflag:s0], $0x1F40  }
0xeb: {  	[sflag:s0] =	ssyncset.done $0x0  }
0xec: {  	s31 =	sadd.s32 $0x300, s30;
	[sflag:s0] =	ssyncadd.s32 $0xFFFFE0C0  }
0xed: {  	[tilespmem:s9], [sflag:$0x3] =	stream.indirect.gather [hbm4b:s5+s1], $0x40, s31, s1, $0xb8;
	[tilespmem:$0x1FB00] =	vst v63  }
0xee: {  	_ =	swait.ge [sflag:s20], $0x1F40  }
0xef: {  	[sflag:s20] =	ssyncset.done $0x0  }
0xf0: {  	s31 =	sadd.s32 $0x7980, s30;
	[sflag:s20] =	ssyncadd.s32 $0xFFFFE0C0  }
0xf1: {  	[spmem:s2] =	stream.indirect.scatter.add.f32 [tilespmem:s10], [sflag:$0x7], $0x40, s31, s1, $0xb8;
	[tilespmem:$0x1FB00] =	vst v63  }
0xf2: {  	_ =	swait.ge [sflag:s0], $0x1F40  }
0xf3: {  	[sflag:s0] =	ssyncset.done $0x0  }
0xf4: {  	s30 =	sadd.s32 $0x380, s30;
	[sflag:s0] =	ssyncadd.s32 $0xFFFFE0C0  }
0xf5: {  	[tilespmem:s10], [sflag:$0x4] =	stream.indirect.gather [hbm4b:s5+s1], $0x40, s30, s1, $0xb8;
	[tilespmem:$0x1FB00] =	vst v63  }
0xf6: {  	_ =	swait.ge [sflag:s21], $0x7D  }
0xf7: {  	[sflag:s21] =	ssyncset.done $0x0  }
.Ltmp1:
0xf8: {  	s30 =	sadd.s32 $0x80, s26;
	[sflag:s21] =	ssyncadd.s32 $0xFFFFFF83;
	(pc) =	sbr.rel @p0 .LBB2_4-.Ltmp1, $4  }
0xf9: {  	[spmem:s3] =	stream.indirect.scatter.add.f32 [tilespmem:s13], [sflag:$0x7], $0x1, s30, s1, $0xb8;
	[tilespmem:$0x1FB00] =	vst v63  }
0xfa: {  	_ =	swait.ge [sflag:s0], $0x7D  }
0xfb: {  	[sflag:s0] =	ssyncset.done $0x0  }
0xfc: {  	s28 =	sadd.s32 $0x100, s28;
	s26 =	sadd.s32 $0x100, s26;
	[sflag:s0] =	ssyncadd.s32 $0xFFFFFF83  }
0xfd: {  	[tilespmem:s13], [sflag:$0x6] =	stream.indirect.gather [hbm4b:s6+s1], $0x1, s25, s1, $0xb8;
	[tilespmem:$0x1FB00] =	vst v63  }
0xfe: {  	_ =	swait.ge [sflag:s15], $0x1F40  }
0xff: {  	[sflag:s15] =	ssyncset.done $0x0  }
0x100: {  	s24 =	simm.s32 $0xC400;
	[sflag:s15] =	ssyncadd.s32 $0xFFFFE0C0  }
0x101: {  	[spmem:s2] =	stream.indirect.scatter.add.f32 [tilespmem:s7], [sflag:$0x7], $0x40, s24, s1, $0xb8;
	[tilespmem:$0x1FB00] =	vst v63  }
0x102: {  	_ =	swait.ge [sflag:s0], $0x1F40  }
0x103: {  	[sflag:s0] =	ssyncset.done $0x0  }
0x104: {  	s25 =	simm.s32 $0x4E00;
	[sflag:s0] =	ssyncadd.s32 $0xFFFFE0C0  }
0x105: {  	[tilespmem:s7], [sflag:$0x1] =	stream.indirect.gather [hbm4b:s5+s1], $0x40, s25, s1, $0xb8;
	[tilespmem:$0x1FB00] =	vst v63  }
0x106: {  	_ =	swait.ge [sflag:s16], $0x1F40  }
0x107: {  	[sflag:s16] =	ssyncset.done $0x0  }
0x108: {  	s26 =	simm.s32 $0xC480;
	[sflag:s16] =	ssyncadd.s32 $0xFFFFE0C0  }
0x109: {  	[spmem:s2] =	stream.indirect.scatter.add.f32 [tilespmem:s8], [sflag:$0x7], $0x40, s26, s1, $0xb8;
	[tilespmem:$0x1FB00] =	vst v63  }
0x10a: {  	_ =	swait.ge [sflag:s0], $0x1F40  }
0x10b: {  	[sflag:s0] =	ssyncset.done $0x0  }
0x10c: {  	s28 =	simm.s32 $0x4E80;
	[sflag:s0] =	ssyncadd.s32 $0xFFFFE0C0  }
0x10d: {  	[tilespmem:s8], [sflag:$0x2] =	stream.indirect.gather [hbm4b:s5+s1], $0x40, s28, s1, $0xb8;
	[tilespmem:$0x1FB00] =	vst v63  }
0x10e: {  	_ =	swait.ge [sflag:s18], $0x7D  }
0x10f: {  	[sflag:s18] =	ssyncset.done $0x0  }
0x110: {  	s30 =	simm.s32 $0x7600;
	[sflag:s18] =	ssyncadd.s32 $0xFFFFFF83  }
0x111: {  	[spmem:s3] =	stream.indirect.scatter.add.f32 [tilespmem:s11], [sflag:$0x7], $0x1, s30, s1, $0xb8;
	[tilespmem:$0x1FB00] =	vst v63  }
0x112: {  	_ =	swait.ge [sflag:s0], $0x7D  }
0x113: {  	[sflag:s0] =	ssyncset.done $0x0  }
0x114: {  	s31 =	rddreg [dreg:$0x12];
	[sflag:s0] =	ssyncadd.s32 $0xFFFFFF83  }
0x115: {  	[tilespmem:s11], [sflag:$0x5] =	stream.indirect.gather [hbm4b:s6+s1], $0x1, s31, s1, $0xb8;
	[tilespmem:$0x1FB00] =	vst v63  }
0x116: {  	_ =	swait.ge [sflag:s19], $0x1F40  }
0x117: {  	[sflag:s19] =	ssyncset.done $0x0  }
0x118: {  	s25 =	simm.s32 $0xC500;
	[sflag:s19] =	ssyncadd.s32 $0xFFFFE0C0  }
0x119: {  	[spmem:s2] =	stream.indirect.scatter.add.f32 [tilespmem:s9], [sflag:$0x7], $0x40, s25, s1, $0xb8;
	[tilespmem:$0x1FB00] =	vst v63  }
0x11a: {  	_ =	swait.ge [sflag:s0], $0x1F40  }
0x11b: {  	[sflag:s0] =	ssyncset.done $0x0  }
0x11c: {  	s26 =	simm.s32 $0x4F00;
	[sflag:s0] =	ssyncadd.s32 $0xFFFFE0C0  }
0x11d: {  	[tilespmem:s9], [sflag:$0x3] =	stream.indirect.gather [hbm4b:s5+s1], $0x40, s26, s1, $0xb8;
	[tilespmem:$0x1FB00] =	vst v63  }
0x11e: {  	_ =	swait.ge [sflag:s20], $0x1F40  }
0x11f: {  	[sflag:s20] =	ssyncset.done $0x0  }
0x120: {  	s28 =	simm.s32 $0xC580;
	[sflag:s20] =	ssyncadd.s32 $0xFFFFE0C0  }
0x121: {  	[spmem:s2] =	stream.indirect.scatter.add.f32 [tilespmem:s10], [sflag:$0x7], $0x40, s28, s1, $0xb8;
	[tilespmem:$0x1FB00] =	vst v63  }
0x122: {  	_ =	swait.ge [sflag:s0], $0x1F40  }
0x123: {  	[sflag:s0] =	ssyncset.done $0x0  }
0x124: {  	[sflag:s0] =	ssyncadd.s32 $0xFFFFE0C0  }
0x125: {  	[tilespmem:s10], [sflag:$0x4] =	stream.indirect.gather [hbm4b:s5+s1], $0x40, s22, s1, $0xb8;
	[tilespmem:$0x1FB00] =	vst v63  }
0x126: {  	_ =	swait.ge [sflag:s21], $0x7D  }
0x127: {  	[sflag:s21] =	ssyncset.done $0x0  }
0x128: {  	s30 =	simm.s32 $0x7680;
	[sflag:s21] =	ssyncadd.s32 $0xFFFFFF83  }
0x129: {  	[spmem:s3] =	stream.indirect.scatter.add.f32 [tilespmem:s13], [sflag:$0x7], $0x1, s30, s1, $0xb8;
	[tilespmem:$0x1FB00] =	vst v63  }
0x12a: {  	_ =	swait.ge [sflag:s0], $0x7D  }
0x12b: {  	[sflag:s0] =	ssyncset.done $0x0  }
0x12c: {  	s31 =	rddreg [dreg:$0x13];
	[sflag:s0] =	ssyncadd.s32 $0xFFFFFF83  }
0x12d: {  	[tilespmem:s13], [sflag:$0x6] =	stream.indirect.gather [hbm4b:s6+s1], $0x1, s31, s1, $0xb8;
	[tilespmem:$0x1FB00] =	vst v63  }
0x12e: {  	_ =	swait.ge [sflag:s15], $0x1F40  }
0x12f: {  	[sflag:s15] =	ssyncset.done $0x0  }
0x130: {  	s25 =	simm.s32 $0xC600;
	[sflag:s15] =	ssyncadd.s32 $0xFFFFE0C0  }
0x131: {  	[spmem:s2] =	stream.indirect.scatter.add.f32 [tilespmem:s7], [sflag:$0x7], $0x40, s25, s1, $0xb8;
	[tilespmem:$0x1FB00] =	vst v63  }
0x132: {  	_ =	swait.ge [sflag:s0], $0x1F40  }
0x133: {  	[sflag:s0] =	ssyncset.done $0x0  }
0x134: {  	[sflag:s0] =	ssyncadd.s32 $0xFFFFE0C0  }
0x135: {  	[tilespmem:s7], [sflag:$0x1] =	stream.indirect.gather [hbm4b:s5+s1], $0x40, s22, s1, $0xb8;
	[tilespmem:$0x1FB00] =	vst v63  }
0x136: {  	_ =	swait.ge [sflag:s16], $0x1F40  }
0x137: {  	[sflag:s16] =	ssyncset.done $0x0  }
0x138: {  	s26 =	simm.s32 $0xC680;
	[sflag:s16] =	ssyncadd.s32 $0xFFFFE0C0  }
0x139: {  	[spmem:s2] =	stream.indirect.scatter.add.f32 [tilespmem:s8], [sflag:$0x7], $0x40, s26, s1, $0xb8;
	[tilespmem:$0x1FB00] =	vst v63  }
0x13a: {  	_ =	swait.ge [sflag:s0], $0x1F40  }
0x13b: {  	[sflag:s0] =	ssyncset.done $0x0  }
0x13c: {  	[sflag:s0] =	ssyncadd.s32 $0xFFFFE0C0  }
0x13d: {  	[tilespmem:s8], [sflag:$0x2] =	stream.indirect.gather [hbm4b:s5+s1], $0x40, s22, s1, $0xb8;
	[tilespmem:$0x1FB00] =	vst v63  }
0x13e: {  	_ =	swait.ge [sflag:s18], $0x7D  }
0x13f: {  	[sflag:s18] =	ssyncset.done $0x0  }
0x140: {  	s28 =	simm.s32 $0x7700;
	[sflag:s18] =	ssyncadd.s32 $0xFFFFFF83  }
0x141: {  	[spmem:s3] =	stream.indirect.scatter.add.f32 [tilespmem:s11], [sflag:$0x7], $0x1, s28, s1, $0xb8;
	[tilespmem:$0x1FB00] =	vst v63  }
0x142: {  	_ =	swait.ge [sflag:s0], $0x7D  }
0x143: {  	[sflag:s0] =	ssyncset.done $0x0  }
0x144: {  	s30 =	rddreg [dreg:$0x10];
	[sflag:s0] =	ssyncadd.s32 $0xFFFFFF83  }
0x145: {  	[tilespmem:s11], [sflag:$0x5] =	stream.indirect.gather [hbm4b:s6+s1], $0x1, s30, s1, $0xb8;
	[tilespmem:$0x1FB00] =	vst v63  }
0x146: {  	_ =	swait.ge [sflag:s19], $0x1F40  }
0x147: {  	[sflag:s19] =	ssyncset.done $0x0  }
0x148: {  	s31 =	simm.s32 $0xC700;
	[sflag:s19] =	ssyncadd.s32 $0xFFFFE0C0  }
0x149: {  	[spmem:s2] =	stream.indirect.scatter.add.f32 [tilespmem:s9], [sflag:$0x7], $0x40, s31, s1, $0xb8;
	[tilespmem:$0x1FB00] =	vst v63  }
0x14a: {  	_ =	swait.ge [sflag:s0], $0x1F40  }
0x14b: {  	[sflag:s0] =	ssyncset.done $0x0  }
0x14c: {  	[sflag:s0] =	ssyncadd.s32 $0xFFFFE0C0  }
0x14d: {  	[tilespmem:s9], [sflag:$0x3] =	stream.indirect.gather [hbm4b:s5+s1], $0x40, s22, s1, $0xb8;
	[tilespmem:$0x1FB00] =	vst v63  }
0x14e: {  	_ =	swait.ge [sflag:s20], $0x1F40  }
0x14f: {  	[sflag:s20] =	ssyncset.done $0x0  }
0x150: {  	s25 =	simm.s32 $0xC780;
	[sflag:s20] =	ssyncadd.s32 $0xFFFFE0C0  }
0x151: {  	[spmem:s2] =	stream.indirect.scatter.add.f32 [tilespmem:s10], [sflag:$0x7], $0x40, s25, s1, $0xb8;
	[tilespmem:$0x1FB00] =	vst v63  }
0x152: {  	_ =	swait.ge [sflag:s0], $0x1F40  }
0x153: {  	[sflag:s0] =	ssyncset.done $0x0  }
0x154: {  	[sflag:s0] =	ssyncadd.s32 $0xFFFFE0C0  }
0x155: {  	[tilespmem:s10], [sflag:$0x4] =	stream.indirect.gather [hbm4b:s5+s1], $0x40, s22, s1, $0xb8;
	[tilespmem:$0x1FB00] =	vst v63  }
0x156: {  	_ =	swait.ge [sflag:s21], $0x7D  }
0x157: {  	[sflag:s21] =	ssyncset.done $0x0  }
0x158: {  	s26 =	simm.s32 $0x7780;
	[sflag:s21] =	ssyncadd.s32 $0xFFFFFF83  }
0x159: {  	[spmem:s3] =	stream.indirect.scatter.add.f32 [tilespmem:s13], [sflag:$0x7], $0x1, s26, s1, $0xb8;
	[tilespmem:$0x1FB00] =	vst v63  }
0x15a: {  	_ =	swait.ge [sflag:s0], $0x7D  }
0x15b: {  	[sflag:s0] =	ssyncset.done $0x0  }
0x15c: {  	s28 =	rddreg [dreg:$0x11];
	[sflag:s0] =	ssyncadd.s32 $0xFFFFFF83  }
0x15d: {  	[tilespmem:s13], [sflag:$0x6] =	stream.indirect.gather [hbm4b:s6+s1], $0x1, s28, s1, $0xb8;
	[tilespmem:$0x1FB00] =	vst v63  }
0x15e: {  	_ =	swait.ge [sflag:s15], $0x1F40  }
0x15f: {  	[sflag:s15] =	ssyncset.done $0x0  }
0x160: {  	[sflag:s15] =	ssyncadd.s32 $0xFFFFE0C0  }
0x161: {  	_ =	swait.ge [sflag:s16], $0x1F40  }
0x162: {  	[sflag:s16] =	ssyncset.done $0x0  }
0x163: {  	[sflag:s16] =	ssyncadd.s32 $0xFFFFE0C0  }
0x164: {  	_ =	swait.ge [sflag:s19], $0x1F40  }
0x165: {  	[sflag:s19] =	ssyncset.done $0x0  }
0x166: {  	[sflag:s19] =	ssyncadd.s32 $0xFFFFE0C0  }
0x167: {  	_ =	swait.ge [sflag:s20], $0x1F40  }
0x168: {  	[sflag:s20] =	ssyncset.done $0x0  }
0x169: {  	[sflag:s20] =	ssyncadd.s32 $0xFFFFE0C0  }
0x16a: {  	_ =	swait.ge [sflag:s18], $0x7D  }
0x16b: {  	[sflag:s18] =	ssyncset.done $0x0  }
0x16c: {  	[sflag:s18] =	ssyncadd.s32 $0xFFFFFF83  }
0x16d: {  	_ =	swait.ge [sflag:s21], $0x7D  }
0x16e: {  	s30 =	stileid.u32;
	[sflag:s21] =	ssyncset.done $0x0  }
0x16f: {  	s24 =	sshll.u32 s30, $0x6;
	[sflag:s21] =	ssyncadd.s32 $0xFFFFFF83  }
0x170: {  	s30 =	simm.s32 $0x8;
	s24 =	sor.u32 $0x1C07, s24;
	[bflag:$0x0] =	sbarrier.arrive $0xFFFF  }
0x171: {  	s31 =	sshrl.u32 s12, $0x3;
	s28 =	simm.s32 $0x10;
	s26 =	rddreg [dreg:$0xd]  }
0x172: {  	[hbm:s26@s28], [sflag:s24] =	dma.strided [spmem:s31@s30], $0x1400, s15, $0x8   }
0x173: {  	_ =	swait.ge [sflag:s0], $0x1400  }
0x174: {  	[sflag:s0] =	ssyncset.done $0x0  }
0x175: {  	s28 =	sshrl.u32 s17, $0x3;
	s30 =	rddreg [dreg:$0xe];
	[sflag:s0] =	ssyncadd.s32 $0xFFFFEC00  }
0x176: {  	[hbm:s30], [sflag:s24] =	dma.local [spmem:s28], $0x50  }
0x177: {  	_ =	swait.ge [sflag:s0], $0x50  }
0x178: {  	s23 =	sadd.s32 $0x1, s23;
	s31 =	rddreg [dreg:$0xf]  }
0x179: {  	p0 =	sne.s32 s23, s31  }
.Ltmp2:
0x17a: {  	_ = 	snop;
	(pc) =	sbr.rel @p0 .LBB2_1-.Ltmp2, $3  }
0x17b: {  	_ =	sdelay $0x1  }
0x17c: {  	[sflag:s0] =	ssyncset.done $0x0  }
0x17d: {  	[sflag:s0] =	ssyncadd.s32 $0xFFFFFFB0  }
0x17e: {  	_ =	sfence.sel $0x180000  }
0x17f: {  	[bflag:$0x0] =	sbarrier.arrive $0xFFFF  }
0x180: {  	_ =	strace $0x9000004A  }
0x181: {  	s0 =	stileid.u32;
	[bflag:$0x2] =	sbarrier.arrive $0xFFFF  }
0x182: {  	p0 =	sne.s32 s0, $0x0;
	s0 =	rddreg [dreg:$0x3]  }
0x183: {  	s0 =	sadd.s32 @!p0 $0x100000, s0  }
0x184: {  	[sflag:s0] =	ssyncadd.tile.s32 @!p0 $0x1;
	_ =	shalt  }
.Lfunc_end2:
_tile_overlayer_lowered:
.L_overlay_start_2:
0x185: {  	(tag) =	ssettag $0x2  }
0x186: {  	s0 =	rddreg [dreg:$0x0];
	s2 =	stileid.u32  }
0x187: {  	s1 =	rddreg [dreg:$0x1];
	p0 =	sne.s32 s2, $0x0  }
0x188: {  	s3 =	rddreg [dreg:$0x2];
	[bflag:$0x3] =	sbarrier.arrive $0xFFFF;
	s2 =	simm.s32 @!p0 $0x1C07  }
0x189: {  	[timem:s3], [sflag:s2] =	dma.local @!p0 [hbm:s0], s1  }
0x18a: {  	s0 =	simm.s32 @!p0 $0x7  }
0x18b: {  	_ =	swait.ge @!p0 [sflag:s0], s1  }
0x18c: {  	s1 =	ssub.s32 @!p0 $0x0, s1;
	[sflag:s0] =	ssyncset.done @!p0 $0x0  }
0x18d: {  	[sflag:s0] =	ssyncadd.s32 @!p0 s1  }
0x18e: {  	[bflag:$0x3] =	sbarrier.arrive $0xFFFF  }
0x18f: {  	_ =	shalt  }

</sc_bundles>
